<compile_context>
chip_gen: v7x
topology: tpu7x:2x2x1
jax: 0.10.2.dev20260603
libtpu: 0.0.44.dev20260713+nightly
codegen_flags: <defaults>
</compile_context>

<pallas_src>
import functools

import jax
import jax.numpy as jnp
from jax import lax
from jax.experimental import pallas as pl
from jax.experimental.pallas import tpu as pltpu
from jax.experimental.pallas import tpu_sc as plsc

N1 = 10000
N2 = 10000
D = 128
F3 = 32
TN = 16
BINS = 16

_BM = 1000
_BN = 2048
_NPAD = 10240


_SLAB = 8


def _hist_body(a1_ref, a2_ref, hist_ref, mm_sm, acc_sm, sbuf, pk, *, n_valid,
               gi, gj):
    p = pl.program_id(0)
    i = pl.program_id(1)
    j = pl.program_id(2)
    first = (i == 0) & (j == 0)
    last = (i == gi - 1) & (j == gj - 1)

    col = j * _BN + jax.lax.broadcasted_iota(jnp.int32, (_SLAB, _BN), 1)
    valid = col < n_valid

    @pl.when(p == 0)
    def _minmax():
        @pl.when(first)
        def _init():
            mm_sm[0] = jnp.inf
            mm_sm[1] = -jnp.inf

        s = jnp.dot(a1_ref[...], a2_ref[...],
                    preferred_element_type=jnp.float32)
        colf = j * _BN + jax.lax.broadcasted_iota(jnp.int32, (_BM, _BN), 1)
        vf = colf < n_valid
        bmin = jnp.min(jnp.where(vf, s, jnp.inf))
        bmax = jnp.max(jnp.where(vf, s, -jnp.inf))
        mm_sm[0] = jnp.minimum(mm_sm[0], bmin)
        mm_sm[1] = jnp.maximum(mm_sm[1], bmax)

    @pl.when(p == 1)
    def _bin():
        lo = mm_sm[0]
        hi = mm_sm[1]
        scale = BINS / jnp.maximum(hi - lo, 1e-30)

        sbuf[...] = jnp.dot(a1_ref[...], a2_ref[...],
                            preferred_element_type=jnp.float32)

        @pl.when(first)
        def _init():
            for b in range(BINS):
                acc_sm[b] = 0

        zero = jnp.zeros((_SLAB, _BN), jnp.int32)
        for k in range(4):
            pk[k] = zero

        def slab(t, _):
            s = sbuf[pl.ds(t * _SLAB, _SLAB), :]
            idx = jnp.minimum(((s - lo) * scale).astype(jnp.int32), BINS - 1)
            one = jnp.where(valid, jnp.int32(1) << ((idx & 3) * 8), 0)
            q = idx >> 2
            for k in range(4):
                pk[k] = pk[k] + jnp.where(q == k, one, zero)
            return 0

        lax.fori_loop(0, _BM // _SLAB, slab, 0)

        for k in range(4):
            packed = pk[k]
            for f in range(4):
                cnt = (packed >> (8 * f)) & 0xFF
                b = 4 * k + f
                acc_sm[b] = acc_sm[b] + jnp.sum(cnt)

        @pl.when(last)
        def _write():
            for b in range(BINS):
                hist_ref[0, b] = acc_sm[b]


def _fused_histogram(a1, a2):
    m, k = a1.shape
    n = a2.shape[0]
    a2t = jnp.zeros((k, _NPAD), a1.dtype).at[:, :n].set(a2.T)
    gi, gj = m // _BM, _NPAD // _BN
    hist = pl.pallas_call(
        functools.partial(_hist_body, n_valid=n, gi=gi, gj=gj),
        grid=(2, gi, gj),
        in_specs=[
            pl.BlockSpec((_BM, k), lambda p, i, j: (i, 0)),
            pl.BlockSpec((k, _BN), lambda p, i, j: (0, j)),
        ],
        out_specs=pl.BlockSpec(memory_space=pltpu.SMEM),
        out_shape=jax.ShapeDtypeStruct((1, BINS), jnp.int32),
        scratch_shapes=[
            pltpu.SMEM((2,), jnp.float32),
            pltpu.SMEM((BINS,), jnp.int32),
            pltpu.VMEM((_BM, _BN), jnp.float32),
            pltpu.VMEM((4, _SLAB, _BN), jnp.int32),
        ],
    )(a1, a2t)
    hist = jnp.minimum(hist, 2**24).astype(jnp.float32)
    return hist / jnp.sum(hist)



_NTILE = 16
_EPT = 320000 // _NTILE
_CH = 128
_NCH = 158
_NCHA = 160
_ACC_ROWS = 10112
_ZROWS = 8
_NPADR = 16


def _prop_body(g_hbm, src_hbm, dst_hbm, out_hbm,
               src_v, dst_v, gbuf0, gbuf1, zbuf, acc, sem0, sem1, *, F):
    c = lax.axis_index("c")
    s = lax.axis_index("s")
    wid = c * _NTILE + s

    pltpu.sync_copy(src_hbm.at[wid], src_v)
    pltpu.sync_copy(dst_hbm.at[wid], dst_v)

    z16 = jnp.zeros((16,), jnp.float32)
    for r in range(_ZROWS):
        for l in range(F // 16):
            zbuf[r, pl.ds(l * 16, 16)] = z16
    zbase = s * 632

    def zero_step(i, _):
        pltpu.sync_copy(zbuf, acc.at[pl.ds(zbase + i * _ZROWS, _ZROWS)])
        return 0

    lax.fori_loop(0, 632 // _ZROWS, zero_step, 0)
    plsc.subcore_barrier()

    def start_gather(j, buf, sem):
        pltpu.make_async_copy(
            g_hbm.at[src_v.at[pl.ds(j * _CH, _CH)]], buf, sem).start()

    def wait_gather(j, buf, sem):
        pltpu.make_async_copy(
            g_hbm.at[src_v.at[pl.ds(j * _CH, _CH)]], buf, sem).wait()

    def scatter_add(j, buf):
        pltpu.sync_copy(buf, acc.at[dst_v.at[j]], add=True)

    start_gather(0, gbuf0, sem0)

    def pair(i, _):
        j0 = 2 * i
        start_gather(j0 + 1, gbuf1, sem1)
        wait_gather(j0, gbuf0, sem0)
        scatter_add(j0, gbuf0)
        start_gather(j0 + 2, gbuf0, sem0)
        wait_gather(j0 + 1, gbuf1, sem1)
        scatter_add(j0 + 1, gbuf1)
        return 0

    lax.fori_loop(0, _NCH // 2, pair, 0)
    wait_gather(_NCH, gbuf0, sem0)

    plsc.subcore_barrier()

    obase = s * 624
    for k, rows in ((0, 128), (128, 128), (256, 128), (384, 128), (512, 112)):
        pltpu.sync_copy(acc.at[pl.ds(obase + k, rows)], gbuf0.at[pl.ds(0, rows)])
        pltpu.sync_copy(gbuf0.at[pl.ds(0, rows)],
                        out_hbm.at[pl.ds(c * 10000 + obase + k, rows)])

    @pl.when(s == 0)
    def _tail():
        pltpu.sync_copy(acc.at[pl.ds(9984, 16)], gbuf1.at[pl.ds(0, 16)])
        pltpu.sync_copy(gbuf1.at[pl.ds(0, 16)],
                        out_hbm.at[pl.ds(c * 10000 + 9984, 16)])

    @pl.when((s == 0) & (c == 0))
    def _padrows():
        pltpu.sync_copy(zbuf, out_hbm.at[pl.ds(20000, _ZROWS)])
        pltpu.sync_copy(zbuf, out_hbm.at[pl.ds(20008, _ZROWS)])


@functools.partial(jax.jit, static_argnums=(3,))
def _sc_propagate(g_stack, src_hbm, dst_hbm, F):
    assert F <= 64
    mesh = plsc.VectorSubcoreMesh(core_axis_name="c", subcore_axis_name="s",
                                  num_cores=2, num_subcores=_NTILE)
    return pl.kernel(
        functools.partial(_prop_body, F=F),
        out_type=jax.ShapeDtypeStruct((2 * 10000 + _NPADR, F), jnp.float32),
        mesh=mesh,
        compiler_params=pltpu.CompilerParams(use_tc_tiling_on_sc=False),
        scratch_types=[
            pltpu.VMEM((_NCHA * _CH,), jnp.int32),
            pltpu.VMEM((_NCHA, _CH), jnp.int32),
            pltpu.VMEM((_CH, F), jnp.float32),
            pltpu.VMEM((_CH, F), jnp.float32),
            pltpu.VMEM((_ZROWS, F), jnp.float32),
            pltpu.VMEM_SHARED((_ACC_ROWS, F), jnp.float32),
            pltpu.SemaphoreType.DMA,
            pltpu.SemaphoreType.DMA,
        ],
    )(g_stack, src_hbm, dst_hbm)


def _prep_edges(ei1, ei2):
    pad = _NCHA * _CH - _EPT

    def per_graph(ei, src_off):
        src = ei[0].astype(jnp.int32).reshape(_NTILE, _EPT) + src_off
        dst = ei[1].astype(jnp.int32).reshape(_NTILE, _EPT)
        src = jnp.pad(src, ((0, 0), (0, pad)), constant_values=2 * 10000)
        dst = jnp.pad(dst, ((0, 0), (0, pad)), constant_values=10000)
        return src, dst

    s1, d1 = per_graph(ei1, 0)
    s2, d2 = per_graph(ei2, 10000)
    src = jnp.concatenate([s1, s2], 0)
    dst = jnp.concatenate([d1, d2], 0).reshape(32, _NCHA, _CH)
    return src, dst


def _attention(emb, att_W):
    gc = jnp.mean(emb @ att_W, axis=0)
    tg = jnp.tanh(gc)
    sig = jax.nn.sigmoid(emb @ tg[:, None])
    return emb.T @ sig


def _ntn(e1, e2, p):
    scoring = (e1.T @ p["ntn_W"].reshape(F3, F3 * TN)).reshape(F3, TN)
    scoring = scoring.T @ e2
    combined = jnp.concatenate([e1, e2], axis=0)
    block = p["ntn_V"] @ combined
    return jax.nn.relu(scoring + block + p["ntn_b"])


def _sc_conv_passes(x1, x2, ei1, ei2, p):
    src_hbm, dst_hbm = _prep_edges(ei1, ei2)
    deg1 = jnp.zeros((10000,), jnp.float32).at[ei1[1]].add(1.0) + 1.0
    deg2 = jnp.zeros((10000,), jnp.float32).at[ei2[1]].add(1.0) + 1.0
    dinv = jnp.concatenate(
        [jax.lax.rsqrt(deg1), jax.lax.rsqrt(deg2),
         jnp.zeros((_NPADR,), jnp.float32)])[:, None]
    h = jnp.concatenate([x1, x2, jnp.zeros((_NPADR, x1.shape[1]), jnp.float32)], 0)

    for (W, b), act in (((p["W1"], p["b1"]), True),
                        ((p["W2"], p["b2"]), True),
                        ((p["W3"], p["b3"]), False)):
        F = W.shape[1]
        parts = []
        for lo in range(0, F, 64):
            Fc = min(64, F - lo)
            g = (h @ W[:, lo:lo + Fc]) * dinv
            acc = _sc_propagate(g, src_hbm, dst_hbm, Fc)
            parts.append(dinv * (acc + g) + b[lo:lo + Fc])
        o = jnp.concatenate(parts, axis=1) if len(parts) > 1 else parts[0]
        h = jax.nn.relu(o) if act else o
    return h[:10000], h[10000:20000]


def kernel(features_1, features_2, edge_index_1, edge_index_2, avg_v, params):
    p = params
    a1, a2 = _sc_conv_passes(features_1, features_2, edge_index_1, edge_index_2, p)
    p1 = _attention(a1, p["att_W"])
    p2 = _attention(a2, p["att_W"])
    scores = _ntn(p1, p2, p).T
    hist = _fused_histogram(a1, a2)
    scores = jnp.concatenate([scores, hist], axis=1).reshape(1, -1)
    s = jax.nn.relu(scores @ p["fc1_W"] + p["fc1_b"])
    s = jax.nn.relu(s @ p["fc2_W"] + p["fc2_b"])
    s = jax.nn.relu(s @ p["fc3_W"] + p["fc3_b"])
    score = jax.nn.sigmoid((s @ p["sc_W"] + p["sc_b"]).reshape(-1))
    pre_ged = -jnp.log(score) * avg_v
    return score, pre_ged

# --- scband reference (transcript-rebuilt; emitter-appended) ---
"""Pipeline reference for scband-sim-gnn-49555332661649 (READ-ONLY COPY).

The authoritative reference and input builder live on the scoring server;
editing this copy changes nothing except your own understanding.
"""

import jax, jax.numpy as jnp
import numpy as np

N1 = 10000
N2 = 10000
E = 320000
D = 128
F1, F2, F3 = 128, 64, 32
TN = 16
BINS = 16
BN1, BN2, BN3 = 16, 8, 4


def _make_params(key):
    ks = jax.random.split(key, 19)
    g = lambda k, shp: jax.random.normal(k, shp, jnp.float32) * 0.05
    return {
        "W1": g(ks[0], (D, F1)), "b1": g(ks[1], (F1,)),
        "W2": g(ks[2], (F1, F2)), "b2": g(ks[3], (F2,)),
        "W3": g(ks[4], (F2, F3)), "b3": g(ks[5], (F3,)),
        "att_W": g(ks[6], (F3, F3)),
        "ntn_W": g(ks[7], (F3, F3, TN)),
        "ntn_V": g(ks[8], (TN, 2 * F3)),
        "ntn_b": g(ks[9], (TN, 1)),
        "fc1_W": g(ks[10], (TN + BINS, BN1)), "fc1_b": g(ks[11], (BN1,)),
        "fc2_W": g(ks[12], (BN1, BN2)), "fc2_b": g(ks[13], (BN2,)),
        "fc3_W": g(ks[14], (BN2, BN3)), "fc3_b": g(ks[15], (BN3,)),
        "sc_W": g(ks[16], (BN3, 1)), "sc_b": g(ks[17], (1,)),
    }


def setup_inputs(seed: int = 0):
    key = jax.random.key(seed)
    k1, k2, k3, k4, kp = jax.random.split(key, 5)
    return {
        "features_1": jax.random.normal(k1, (N1, D), jnp.float32),
        "features_2": jax.random.normal(k2, (N2, D), jnp.float32),
        "edge_index_1": jax.random.randint(k3, (2, E), 0, N1),
        "edge_index_2": jax.random.randint(k4, (2, E), 0, N2),
        "avg_v": jnp.ones((1,), jnp.float32),
        "params": _make_params(kp),
    }


def _gcn(x, ei, W, b):
    # GCNConv: add self loops + symmetric degree normalization (gather/scatter-add)
    n = x.shape[0]
    loop = jnp.arange(n, dtype=ei.dtype)
    src = jnp.concatenate([ei[0], loop])
    dst = jnp.concatenate([ei[1], loop])
    deg = jnp.zeros((n,), x.dtype).at[dst].add(1.0)
    dinv = jax.lax.rsqrt(jnp.maximum(deg, 1e-12))
    norm = (dinv[src] * dinv[dst])[:, None]
    h = x @ W
    out = jnp.zeros((n, W.shape[1]), x.dtype).at[dst].add(h[src] * norm)
    return out + b


def _conv_pass(x, ei, p):
    h = jax.nn.relu(_gcn(x, ei, p["W1"], p["b1"]))
    h = jax.nn.relu(_gcn(h, ei, p["W2"], p["b2"]))
    return _gcn(h, ei, p["W3"], p["b3"])


def _attention(emb, att_W):
    gc = jnp.mean(emb @ att_W, axis=0)
    tg = jnp.tanh(gc)
    sig = jax.nn.sigmoid(emb @ tg[:, None])
    return emb.T @ sig  # [F3, 1]


def _ntn(e1, e2, p):
    scoring = (e1.T @ p["ntn_W"].reshape(F3, F3 * TN)).reshape(F3, TN)
    scoring = scoring.T @ e2
    combined = jnp.concatenate([e1, e2], axis=0)
    block = p["ntn_V"] @ combined
    return jax.nn.relu(scoring + block + p["ntn_b"])  # [TN, 1]


def _histogram(a1, a2t):
    # torch.histc on detached similarity matrix (min/max taken from data)
    scores = jax.lax.stop_gradient(a1 @ a2t).reshape(-1)
    hist, _ = jnp.histogram(scores, bins=BINS)
    hist = hist.astype(jnp.float32)
    return (hist / jnp.sum(hist)).reshape(1, -1)


def _forward(features_1, features_2, edge_index_1, edge_index_2, avg_v, p):
    a1 = _conv_pass(features_1, edge_index_1, p)
    a2 = _conv_pass(features_2, edge_index_2, p)
    p1 = _attention(a1, p["att_W"])
    p2 = _attention(a2, p["att_W"])
    scores = _ntn(p1, p2, p).T  # [1, TN]
    hist = _histogram(a1, a2.T)
    scores = jnp.concatenate([scores, hist], axis=1).reshape(1, -1)
    s = jax.nn.relu(scores @ p["fc1_W"] + p["fc1_b"])
    s = jax.nn.relu(s @ p["fc2_W"] + p["fc2_b"])
    s = jax.nn.relu(s @ p["fc3_W"] + p["fc3_b"])
    score = jax.nn.sigmoid((s @ p["sc_W"] + p["sc_b"]).reshape(-1))
    pre_ged = -jnp.log(score) * avg_v  # target_mode == 'exp'
    return score, pre_ged


def reference(features_1, features_2, edge_index_1, edge_index_2, avg_v, params):
    return _forward(features_1, features_2, edge_index_1, edge_index_2, avg_v, params)

if __name__ == "__main__":
    import jax
    _d = setup_inputs()
    print(jax.jit(kernel)(*tuple(_d.values())))

</pallas_src>

<mosaic_0001>
#map = affine_map<(d0, d1) -> (0, 0)>
#map1 = affine_map<(d0, d1) -> (0, 0, 0)>
module attributes {stable_mosaic.version = 14 : i64} {
  func.func @_prop_body(%arg0: i32, %arg1: i32, %arg2: memref<20016x64xf32, #tpu.memory_space<hbm>>, %arg3: memref<32x20480xi32, #tpu.memory_space<hbm>>, %arg4: memref<32x160x128xi32, #tpu.memory_space<hbm>>, %arg5: memref<20016x64xf32, #tpu.memory_space<hbm>>, %arg6: memref<20480xi32, #tpu.memory_space<vmem>>, %arg7: memref<160x128xi32, #tpu.memory_space<vmem>>, %arg8: memref<128x64xf32, #tpu.memory_space<vmem>>, %arg9: memref<128x64xf32, #tpu.memory_space<vmem>>, %arg10: memref<8x64xf32, #tpu.memory_space<vmem>>, %arg11: memref<10112x64xf32, #tpu.memory_space<vmem_shared>>, %arg12: memref<!tpu.dma_semaphore, #tpu.memory_space<semaphore_mem>>, %arg13: memref<!tpu.dma_semaphore, #tpu.memory_space<semaphore_mem>>) attributes {dimension_semantics = [#tpu.dimension_semantics<core_parallel>, #tpu.dimension_semantics<subcore_parallel>], iteration_bounds = array<i64: 2, 16>, scalar_prefetch = 0 : i64, scratch_operands = 8 : i64, tpu.core_type = #tpu.core_type<sc_vector_subcore>, window_params = [{transform_indices = #map}, {transform_indices = #map}, {transform_indices = #map1}, {transform_indices = #map}]} {
    %mul3A = arith.constant 16 : i32
    %mul3A_0 = arith.muli %arg0, %mul3A : i32
    %add3A = arith.addi %mul3A_0, %arg1 : i32
    "tpu.region"() ({
      %run_scoped3A = tpu.sem_alloc : memref<!tpu.dma_semaphore, #tpu.memory_space<semaphore_mem>>
      %dma_start3A_263 = arith.constant 0 : i32
      %dma_start3A_264 = tpu.memref_slice %arg3[%add3A, %dma_start3A_263] : memref<32x20480xi32, #tpu.memory_space<hbm>> -> memref<1x20480xi32, #tpu.memory_space<hbm>>
      %dma_start3A_265 = tpu.memref_squeeze %dma_start3A_264 : memref<1x20480xi32, #tpu.memory_space<hbm>> -> memref<20480xi32, #tpu.memory_space<hbm>>
      %dma_start3A_266 = arith.constant 0 : i32
      %dma_start3A_267 = tpu.memref_slice %arg3[%add3A, %dma_start3A_266] : memref<32x20480xi32, #tpu.memory_space<hbm>> -> memref<1x20480xi32, #tpu.memory_space<hbm>>
      %dma_start3A_268 = tpu.memref_squeeze %dma_start3A_267 : memref<1x20480xi32, #tpu.memory_space<hbm>> -> memref<20480xi32, #tpu.memory_space<hbm>>
      tpu.enqueue_dma source(%dma_start3A_268 : memref<20480xi32, #tpu.memory_space<hbm>>) target(%arg6 : memref<20480xi32, #tpu.memory_space<vmem>>) target_semaphore(%run_scoped3A : memref<!tpu.dma_semaphore, #tpu.memory_space<semaphore_mem>>)
      %dma_wait3A_269 = arith.constant 0 : i32
      %dma_wait3A_270 = tpu.memref_slice %arg3[%add3A, %dma_wait3A_269] : memref<32x20480xi32, #tpu.memory_space<hbm>> -> memref<1x20480xi32, #tpu.memory_space<hbm>>
      %dma_wait3A_271 = tpu.memref_squeeze %dma_wait3A_270 : memref<1x20480xi32, #tpu.memory_space<hbm>> -> memref<20480xi32, #tpu.memory_space<hbm>>
      %dma_wait3A_272 = arith.constant 0 : i32
      %dma_wait3A_273 = tpu.memref_slice %arg3[%add3A, %dma_wait3A_272] : memref<32x20480xi32, #tpu.memory_space<hbm>> -> memref<1x20480xi32, #tpu.memory_space<hbm>>
      %dma_wait3A_274 = tpu.memref_squeeze %dma_wait3A_273 : memref<1x20480xi32, #tpu.memory_space<hbm>> -> memref<20480xi32, #tpu.memory_space<hbm>>
      tpu.wait_dma2 semaphore(%run_scoped3A : memref<!tpu.dma_semaphore, #tpu.memory_space<semaphore_mem>>) src(%dma_wait3A_274 : memref<20480xi32, #tpu.memory_space<hbm>>) dst(%arg6 : memref<20480xi32, #tpu.memory_space<vmem>>)
      tpu.yield
    }) : () -> ()
    "tpu.region"() ({
      %run_scoped3A = tpu.sem_alloc : memref<!tpu.dma_semaphore, #tpu.memory_space<semaphore_mem>>
      %dma_start3A_263 = arith.constant 0 : i32
      %dma_start3A_264 = arith.constant 0 : i32
      %dma_start3A_265 = tpu.memref_slice %arg4[%add3A, %dma_start3A_263, %dma_start3A_264] : memref<32x160x128xi32, #tpu.memory_space<hbm>> -> memref<1x160x128xi32, #tpu.memory_space<hbm>>
      %dma_start3A_266 = tpu.memref_squeeze %dma_start3A_265 : memref<1x160x128xi32, #tpu.memory_space<hbm>> -> memref<160x128xi32, #tpu.memory_space<hbm>>
      %dma_start3A_267 = arith.constant 0 : i32
      %dma_start3A_268 = arith.constant 0 : i32
      %dma_start3A_269 = tpu.memref_slice %arg4[%add3A, %dma_start3A_267, %dma_start3A_268] : memref<32x160x128xi32, #tpu.memory_space<hbm>> -> memref<1x160x128xi32, #tpu.memory_space<hbm>>
      %dma_start3A_270 = tpu.memref_squeeze %dma_start3A_269 : memref<1x160x128xi32, #tpu.memory_space<hbm>> -> memref<160x128xi32, #tpu.memory_space<hbm>>
      tpu.enqueue_dma source(%dma_start3A_270 : memref<160x128xi32, #tpu.memory_space<hbm>>) target(%arg7 : memref<160x128xi32, #tpu.memory_space<vmem>>) target_semaphore(%run_scoped3A : memref<!tpu.dma_semaphore, #tpu.memory_space<semaphore_mem>>)
      %dma_wait3A_271 = arith.constant 0 : i32
      %dma_wait3A_272 = arith.constant 0 : i32
      %dma_wait3A_273 = tpu.memref_slice %arg4[%add3A, %dma_wait3A_271, %dma_wait3A_272] : memref<32x160x128xi32, #tpu.memory_space<hbm>> -> memref<1x160x128xi32, #tpu.memory_space<hbm>>
      %dma_wait3A_274 = tpu.memref_squeeze %dma_wait3A_273 : memref<1x160x128xi32, #tpu.memory_space<hbm>> -> memref<160x128xi32, #tpu.memory_space<hbm>>
      %dma_wait3A_275 = arith.constant 0 : i32
      %dma_wait3A_276 = arith.constant 0 : i32
      %dma_wait3A_277 = tpu.memref_slice %arg4[%add3A, %dma_wait3A_275, %dma_wait3A_276] : memref<32x160x128xi32, #tpu.memory_space<hbm>> -> memref<1x160x128xi32, #tpu.memory_space<hbm>>
      %dma_wait3A_278 = tpu.memref_squeeze %dma_wait3A_277 : memref<1x160x128xi32, #tpu.memory_space<hbm>> -> memref<160x128xi32, #tpu.memory_space<hbm>>
      tpu.wait_dma2 semaphore(%run_scoped3A : memref<!tpu.dma_semaphore, #tpu.memory_space<semaphore_mem>>) src(%dma_wait3A_278 : memref<160x128xi32, #tpu.memory_space<hbm>>) dst(%arg7 : memref<160x128xi32, #tpu.memory_space<vmem>>)
      tpu.yield
    }) : () -> ()
    %broadcast_in_dim3A = arith.constant 0.000000e+00 : f32
    %broadcast_in_dim3A_1 = vector.broadcast %broadcast_in_dim3A : f32 to vector<16xf32>
    %swap3A = arith.constant 0 : i32
    %swap3A_2 = arith.index_cast %swap3A : i32 to index
    %swap3A_3 = arith.constant 0 : index
    %swap3A_4 = tpu.vector_load %arg10[%swap3A_2, %swap3A_3] {strides = array<i32>} : memref<8x64xf32, #tpu.memory_space<vmem>>, vector<1x16xf32>,
    %swap3A_5 = vector.shape_cast %swap3A_4 : vector<1x16xf32> to vector<16xf32>
    %swap3A_6 = vector.shape_cast %broadcast_in_dim3A_1 : vector<16xf32> to vector<1x16xf32>
    tpu.vector_store %arg10[%swap3A_2, %swap3A_3], %swap3A_6 {strides = array<i32>} : memref<8x64xf32, #tpu.memory_space<vmem>>, vector<1x16xf32>,
    %swap3A_7 = arith.constant 0 : i32
    %swap3A_8 = arith.index_cast %swap3A_7 : i32 to index
    %swap3A_9 = arith.constant 16 : index
    %swap3A_10 = tpu.vector_load %arg10[%swap3A_8, %swap3A_9] {strides = array<i32>} : memref<8x64xf32, #tpu.memory_space<vmem>>, vector<1x16xf32>,
    %swap3A_11 = vector.shape_cast %swap3A_10 : vector<1x16xf32> to vector<16xf32>
    %swap3A_12 = vector.shape_cast %broadcast_in_dim3A_1 : vector<16xf32> to vector<1x16xf32>
    tpu.vector_store %arg10[%swap3A_8, %swap3A_9], %swap3A_12 {strides = array<i32>} : memref<8x64xf32, #tpu.memory_space<vmem>>, vector<1x16xf32>,
    %swap3A_13 = arith.constant 0 : i32
    %swap3A_14 = arith.index_cast %swap3A_13 : i32 to index
    %swap3A_15 = arith.constant 32 : index
    %swap3A_16 = tpu.vector_load %arg10[%swap3A_14, %swap3A_15] {strides = array<i32>} : memref<8x64xf32, #tpu.memory_space<vmem>>, vector<1x16xf32>,
    %swap3A_17 = vector.shape_cast %swap3A_16 : vector<1x16xf32> to vector<16xf32>
    %swap3A_18 = vector.shape_cast %broadcast_in_dim3A_1 : vector<16xf32> to vector<1x16xf32>
    tpu.vector_store %arg10[%swap3A_14, %swap3A_15], %swap3A_18 {strides = array<i32>} : memref<8x64xf32, #tpu.memory_space<vmem>>, vector<1x16xf32>,
    %swap3A_19 = arith.constant 0 : i32
    %swap3A_20 = arith.index_cast %swap3A_19 : i32 to index
    %swap3A_21 = arith.constant 48 : index
    %swap3A_22 = tpu.vector_load %arg10[%swap3A_20, %swap3A_21] {strides = array<i32>} : memref<8x64xf32, #tpu.memory_space<vmem>>, vector<1x16xf32>,
    %swap3A_23 = vector.shape_cast %swap3A_22 : vector<1x16xf32> to vector<16xf32>
    %swap3A_24 = vector.shape_cast %broadcast_in_dim3A_1 : vector<16xf32> to vector<1x16xf32>
    tpu.vector_store %arg10[%swap3A_20, %swap3A_21], %swap3A_24 {strides = array<i32>} : memref<8x64xf32, #tpu.memory_space<vmem>>, vector<1x16xf32>,
    %swap3A_25 = arith.constant 1 : i32
    %swap3A_26 = arith.index_cast %swap3A_25 : i32 to index
    %swap3A_27 = arith.constant 0 : index
    %swap3A_28 = tpu.vector_load %arg10[%swap3A_26, %swap3A_27] {strides = array<i32>} : memref<8x64xf32, #tpu.memory_space<vmem>>, vector<1x16xf32>,
    %swap3A_29 = vector.shape_cast %swap3A_28 : vector<1x16xf32> to vector<16xf32>
    %swap3A_30 = vector.shape_cast %broadcast_in_dim3A_1 : vector<16xf32> to vector<1x16xf32>
    tpu.vector_store %arg10[%swap3A_26, %swap3A_27], %swap3A_30 {strides = array<i32>} : memref<8x64xf32, #tpu.memory_space<vmem>>, vector<1x16xf32>,
    %swap3A_31 = arith.constant 1 : i32
    %swap3A_32 = arith.index_cast %swap3A_31 : i32 to index
    %swap3A_33 = arith.constant 16 : index
    %swap3A_34 = tpu.vector_load %arg10[%swap3A_32, %swap3A_33] {strides = array<i32>} : memref<8x64xf32, #tpu.memory_space<vmem>>, vector<1x16xf32>,
    %swap3A_35 = vector.shape_cast %swap3A_34 : vector<1x16xf32> to vector<16xf32>
    %swap3A_36 = vector.shape_cast %broadcast_in_dim3A_1 : vector<16xf32> to vector<1x16xf32>
    tpu.vector_store %arg10[%swap3A_32, %swap3A_33], %swap3A_36 {strides = array<i32>} : memref<8x64xf32, #tpu.memory_space<vmem>>, vector<1x16xf32>,
    %swap3A_37 = arith.constant 1 : i32
    %swap3A_38 = arith.index_cast %swap3A_37 : i32 to index
    %swap3A_39 = arith.constant 32 : index
    %swap3A_40 = tpu.vector_load %arg10[%swap3A_38, %swap3A_39] {strides = array<i32>} : memref<8x64xf32, #tpu.memory_space<vmem>>, vector<1x16xf32>,
    %swap3A_41 = vector.shape_cast %swap3A_40 : vector<1x16xf32> to vector<16xf32>
    %swap3A_42 = vector.shape_cast %broadcast_in_dim3A_1 : vector<16xf32> to vector<1x16xf32>
    tpu.vector_store %arg10[%swap3A_38, %swap3A_39], %swap3A_42 {strides = array<i32>} : memref<8x64xf32, #tpu.memory_space<vmem>>, vector<1x16xf32>,
    %swap3A_43 = arith.constant 1 : i32
    %swap3A_44 = arith.index_cast %swap3A_43 : i32 to index
    %swap3A_45 = arith.constant 48 : index
    %swap3A_46 = tpu.vector_load %arg10[%swap3A_44, %swap3A_45] {strides = array<i32>} : memref<8x64xf32, #tpu.memory_space<vmem>>, vector<1x16xf32>,
    %swap3A_47 = vector.shape_cast %swap3A_46 : vector<1x16xf32> to vector<16xf32>
    %swap3A_48 = vector.shape_cast %broadcast_in_dim3A_1 : vector<16xf32> to vector<1x16xf32>
    tpu.vector_store %arg10[%swap3A_44, %swap3A_45], %swap3A_48 {strides = array<i32>} : memref<8x64xf32, #tpu.memory_space<vmem>>, vector<1x16xf32>,
    %swap3A_49 = arith.constant 2 : i32
    %swap3A_50 = arith.index_cast %swap3A_49 : i32 to index
    %swap3A_51 = arith.constant 0 : index
    %swap3A_52 = tpu.vector_load %arg10[%swap3A_50, %swap3A_51] {strides = array<i32>} : memref<8x64xf32, #tpu.memory_space<vmem>>, vector<1x16xf32>,
    %swap3A_53 = vector.shape_cast %swap3A_52 : vector<1x16xf32> to vector<16xf32>
    %swap3A_54 = vector.shape_cast %broadcast_in_dim3A_1 : vector<16xf32> to vector<1x16xf32>
    tpu.vector_store %arg10[%swap3A_50, %swap3A_51], %swap3A_54 {strides = array<i32>} : memref<8x64xf32, #tpu.memory_space<vmem>>, vector<1x16xf32>,
    %swap3A_55 = arith.constant 2 : i32
    %swap3A_56 = arith.index_cast %swap3A_55 : i32 to index
    %swap3A_57 = arith.constant 16 : index
    %swap3A_58 = tpu.vector_load %arg10[%swap3A_56, %swap3A_57] {strides = array<i32>} : memref<8x64xf32, #tpu.memory_space<vmem>>, vector<1x16xf32>,
    %swap3A_59 = vector.shape_cast %swap3A_58 : vector<1x16xf32> to vector<16xf32>
    %swap3A_60 = vector.shape_cast %broadcast_in_dim3A_1 : vector<16xf32> to vector<1x16xf32>
    tpu.vector_store %arg10[%swap3A_56, %swap3A_57], %swap3A_60 {strides = array<i32>} : memref<8x64xf32, #tpu.memory_space<vmem>>, vector<1x16xf32>,
    %swap3A_61 = arith.constant 2 : i32
    %swap3A_62 = arith.index_cast %swap3A_61 : i32 to index
    %swap3A_63 = arith.constant 32 : index
    %swap3A_64 = tpu.vector_load %arg10[%swap3A_62, %swap3A_63] {strides = array<i32>} : memref<8x64xf32, #tpu.memory_space<vmem>>, vector<1x16xf32>,
    %swap3A_65 = vector.shape_cast %swap3A_64 : vector<1x16xf32> to vector<16xf32>
    %swap3A_66 = vector.shape_cast %broadcast_in_dim3A_1 : vector<16xf32> to vector<1x16xf32>
    tpu.vector_store %arg10[%swap3A_62, %swap3A_63], %swap3A_66 {strides = array<i32>} : memref<8x64xf32, #tpu.memory_space<vmem>>, vector<1x16xf32>,
    %swap3A_67 = arith.constant 2 : i32
    %swap3A_68 = arith.index_cast %swap3A_67 : i32 to index
    %swap3A_69 = arith.constant 48 : index
    %swap3A_70 = tpu.vector_load %arg10[%swap3A_68, %swap3A_69] {strides = array<i32>} : memref<8x64xf32, #tpu.memory_space<vmem>>, vector<1x16xf32>,
    %swap3A_71 = vector.shape_cast %swap3A_70 : vector<1x16xf32> to vector<16xf32>
    %swap3A_72 = vector.shape_cast %broadcast_in_dim3A_1 : vector<16xf32> to vector<1x16xf32>
    tpu.vector_store %arg10[%swap3A_68, %swap3A_69], %swap3A_72 {strides = array<i32>} : memref<8x64xf32, #tpu.memory_space<vmem>>, vector<1x16xf32>,
    %swap3A_73 = arith.constant 3 : i32
    %swap3A_74 = arith.index_cast %swap3A_73 : i32 to index
    %swap3A_75 = arith.constant 0 : index
    %swap3A_76 = tpu.vector_load %arg10[%swap3A_74, %swap3A_75] {strides = array<i32>} : memref<8x64xf32, #tpu.memory_space<vmem>>, vector<1x16xf32>,
    %swap3A_77 = vector.shape_cast %swap3A_76 : vector<1x16xf32> to vector<16xf32>
    %swap3A_78 = vector.shape_cast %broadcast_in_dim3A_1 : vector<16xf32> to vector<1x16xf32>
    tpu.vector_store %arg10[%swap3A_74, %swap3A_75], %swap3A_78 {strides = array<i32>} : memref<8x64xf32, #tpu.memory_space<vmem>>, vector<1x16xf32>,
    %swap3A_79 = arith.constant 3 : i32
    %swap3A_80 = arith.index_cast %swap3A_79 : i32 to index
    %swap3A_81 = arith.constant 16 : index
    %swap3A_82 = tpu.vector_load %arg10[%swap3A_80, %swap3A_81] {strides = array<i32>} : memref<8x64xf32, #tpu.memory_space<vmem>>, vector<1x16xf32>,
    %swap3A_83 = vector.shape_cast %swap3A_82 : vector<1x16xf32> to vector<16xf32>
    %swap3A_84 = vector.shape_cast %broadcast_in_dim3A_1 : vector<16xf32> to vector<1x16xf32>
    tpu.vector_store %arg10[%swap3A_80, %swap3A_81], %swap3A_84 {strides = array<i32>} : memref<8x64xf32, #tpu.memory_space<vmem>>, vector<1x16xf32>,
    %swap3A_85 = arith.constant 3 : i32
    %swap3A_86 = arith.index_cast %swap3A_85 : i32 to index
    %swap3A_87 = arith.constant 32 : index
    %swap3A_88 = tpu.vector_load %arg10[%swap3A_86, %swap3A_87] {strides = array<i32>} : memref<8x64xf32, #tpu.memory_space<vmem>>, vector<1x16xf32>,
    %swap3A_89 = vector.shape_cast %swap3A_88 : vector<1x16xf32> to vector<16xf32>
    %swap3A_90 = vector.shape_cast %broadcast_in_dim3A_1 : vector<16xf32> to vector<1x16xf32>
    tpu.vector_store %arg10[%swap3A_86, %swap3A_87], %swap3A_90 {strides = array<i32>} : memref<8x64xf32, #tpu.memory_space<vmem>>, vector<1x16xf32>,
    %swap3A_91 = arith.constant 3 : i32
    %swap3A_92 = arith.index_cast %swap3A_91 : i32 to index
    %swap3A_93 = arith.constant 48 : index
    %swap3A_94 = tpu.vector_load %arg10[%swap3A_92, %swap3A_93] {strides = array<i32>} : memref<8x64xf32, #tpu.memory_space<vmem>>, vector<1x16xf32>,
    %swap3A_95 = vector.shape_cast %swap3A_94 : vector<1x16xf32> to vector<16xf32>
    %swap3A_96 = vector.shape_cast %broadcast_in_dim3A_1 : vector<16xf32> to vector<1x16xf32>
    tpu.vector_store %arg10[%swap3A_92, %swap3A_93], %swap3A_96 {strides = array<i32>} : memref<8x64xf32, #tpu.memory_space<vmem>>, vector<1x16xf32>,
    %swap3A_97 = arith.constant 4 : i32
    %swap3A_98 = arith.index_cast %swap3A_97 : i32 to index
    %swap3A_99 = arith.constant 0 : index
    %swap3A_100 = tpu.vector_load %arg10[%swap3A_98, %swap3A_99] {strides = array<i32>} : memref<8x64xf32, #tpu.memory_space<vmem>>, vector<1x16xf32>,
    %swap3A_101 = vector.shape_cast %swap3A_100 : vector<1x16xf32> to vector<16xf32>
    %swap3A_102 = vector.shape_cast %broadcast_in_dim3A_1 : vector<16xf32> to vector<1x16xf32>
    tpu.vector_store %arg10[%swap3A_98, %swap3A_99], %swap3A_102 {strides = array<i32>} : memref<8x64xf32, #tpu.memory_space<vmem>>, vector<1x16xf32>,
    %swap3A_103 = arith.constant 4 : i32
    %swap3A_104 = arith.index_cast %swap3A_103 : i32 to index
    %swap3A_105 = arith.constant 16 : index
    %swap3A_106 = tpu.vector_load %arg10[%swap3A_104, %swap3A_105] {strides = array<i32>} : memref<8x64xf32, #tpu.memory_space<vmem>>, vector<1x16xf32>,
    %swap3A_107 = vector.shape_cast %swap3A_106 : vector<1x16xf32> to vector<16xf32>
    %swap3A_108 = vector.shape_cast %broadcast_in_dim3A_1 : vector<16xf32> to vector<1x16xf32>
    tpu.vector_store %arg10[%swap3A_104, %swap3A_105], %swap3A_108 {strides = array<i32>} : memref<8x64xf32, #tpu.memory_space<vmem>>, vector<1x16xf32>,
    %swap3A_109 = arith.constant 4 : i32
    %swap3A_110 = arith.index_cast %swap3A_109 : i32 to index
    %swap3A_111 = arith.constant 32 : index
    %swap3A_112 = tpu.vector_load %arg10[%swap3A_110, %swap3A_111] {strides = array<i32>} : memref<8x64xf32, #tpu.memory_space<vmem>>, vector<1x16xf32>,
    %swap3A_113 = vector.shape_cast %swap3A_112 : vector<1x16xf32> to vector<16xf32>
    %swap3A_114 = vector.shape_cast %broadcast_in_dim3A_1 : vector<16xf32> to vector<1x16xf32>
    tpu.vector_store %arg10[%swap3A_110, %swap3A_111], %swap3A_114 {strides = array<i32>} : memref<8x64xf32, #tpu.memory_space<vmem>>, vector<1x16xf32>,
    %swap3A_115 = arith.constant 4 : i32
    %swap3A_116 = arith.index_cast %swap3A_115 : i32 to index
    %swap3A_117 = arith.constant 48 : index
    %swap3A_118 = tpu.vector_load %arg10[%swap3A_116, %swap3A_117] {strides = array<i32>} : memref<8x64xf32, #tpu.memory_space<vmem>>, vector<1x16xf32>,
    %swap3A_119 = vector.shape_cast %swap3A_118 : vector<1x16xf32> to vector<16xf32>
    %swap3A_120 = vector.shape_cast %broadcast_in_dim3A_1 : vector<16xf32> to vector<1x16xf32>
    tpu.vector_store %arg10[%swap3A_116, %swap3A_117], %swap3A_120 {strides = array<i32>} : memref<8x64xf32, #tpu.memory_space<vmem>>, vector<1x16xf32>,
    %swap3A_121 = arith.constant 5 : i32
    %swap3A_122 = arith.index_cast %swap3A_121 : i32 to index
    %swap3A_123 = arith.constant 0 : index
    %swap3A_124 = tpu.vector_load %arg10[%swap3A_122, %swap3A_123] {strides = array<i32>} : memref<8x64xf32, #tpu.memory_space<vmem>>, vector<1x16xf32>,
    %swap3A_125 = vector.shape_cast %swap3A_124 : vector<1x16xf32> to vector<16xf32>
    %swap3A_126 = vector.shape_cast %broadcast_in_dim3A_1 : vector<16xf32> to vector<1x16xf32>
    tpu.vector_store %arg10[%swap3A_122, %swap3A_123], %swap3A_126 {strides = array<i32>} : memref<8x64xf32, #tpu.memory_space<vmem>>, vector<1x16xf32>,
    %swap3A_127 = arith.constant 5 : i32
    %swap3A_128 = arith.index_cast %swap3A_127 : i32 to index
    %swap3A_129 = arith.constant 16 : index
    %swap3A_130 = tpu.vector_load %arg10[%swap3A_128, %swap3A_129] {strides = array<i32>} : memref<8x64xf32, #tpu.memory_space<vmem>>, vector<1x16xf32>,
    %swap3A_131 = vector.shape_cast %swap3A_130 : vector<1x16xf32> to vector<16xf32>
    %swap3A_132 = vector.shape_cast %broadcast_in_dim3A_1 : vector<16xf32> to vector<1x16xf32>
    tpu.vector_store %arg10[%swap3A_128, %swap3A_129], %swap3A_132 {strides = array<i32>} : memref<8x64xf32, #tpu.memory_space<vmem>>, vector<1x16xf32>,
    %swap3A_133 = arith.constant 5 : i32
    %swap3A_134 = arith.index_cast %swap3A_133 : i32 to index
    %swap3A_135 = arith.constant 32 : index
    %swap3A_136 = tpu.vector_load %arg10[%swap3A_134, %swap3A_135] {strides = array<i32>} : memref<8x64xf32, #tpu.memory_space<vmem>>, vector<1x16xf32>,
    %swap3A_137 = vector.shape_cast %swap3A_136 : vector<1x16xf32> to vector<16xf32>
    %swap3A_138 = vector.shape_cast %broadcast_in_dim3A_1 : vector<16xf32> to vector<1x16xf32>
    tpu.vector_store %arg10[%swap3A_134, %swap3A_135], %swap3A_138 {strides = array<i32>} : memref<8x64xf32, #tpu.memory_space<vmem>>, vector<1x16xf32>,
    %swap3A_139 = arith.constant 5 : i32
    %swap3A_140 = arith.index_cast %swap3A_139 : i32 to index
    %swap3A_141 = arith.constant 48 : index
    %swap3A_142 = tpu.vector_load %arg10[%swap3A_140, %swap3A_141] {strides = array<i32>} : memref<8x64xf32, #tpu.memory_space<vmem>>, vector<1x16xf32>,
    %swap3A_143 = vector.shape_cast %swap3A_142 : vector<1x16xf32> to vector<16xf32>
    %swap3A_144 = vector.shape_cast %broadcast_in_dim3A_1 : vector<16xf32> to vector<1x16xf32>
    tpu.vector_store %arg10[%swap3A_140, %swap3A_141], %swap3A_144 {strides = array<i32>} : memref<8x64xf32, #tpu.memory_space<vmem>>, vector<1x16xf32>,
    %swap3A_145 = arith.constant 6 : i32
    %swap3A_146 = arith.index_cast %swap3A_145 : i32 to index
    %swap3A_147 = arith.constant 0 : index
    %swap3A_148 = tpu.vector_load %arg10[%swap3A_146, %swap3A_147] {strides = array<i32>} : memref<8x64xf32, #tpu.memory_space<vmem>>, vector<1x16xf32>,
    %swap3A_149 = vector.shape_cast %swap3A_148 : vector<1x16xf32> to vector<16xf32>
    %swap3A_150 = vector.shape_cast %broadcast_in_dim3A_1 : vector<16xf32> to vector<1x16xf32>
    tpu.vector_store %arg10[%swap3A_146, %swap3A_147], %swap3A_150 {strides = array<i32>} : memref<8x64xf32, #tpu.memory_space<vmem>>, vector<1x16xf32>,
    %swap3A_151 = arith.constant 6 : i32
    %swap3A_152 = arith.index_cast %swap3A_151 : i32 to index
    %swap3A_153 = arith.constant 16 : index
    %swap3A_154 = tpu.vector_load %arg10[%swap3A_152, %swap3A_153] {strides = array<i32>} : memref<8x64xf32, #tpu.memory_space<vmem>>, vector<1x16xf32>,
    %swap3A_155 = vector.shape_cast %swap3A_154 : vector<1x16xf32> to vector<16xf32>
    %swap3A_156 = vector.shape_cast %broadcast_in_dim3A_1 : vector<16xf32> to vector<1x16xf32>
    tpu.vector_store %arg10[%swap3A_152, %swap3A_153], %swap3A_156 {strides = array<i32>} : memref<8x64xf32, #tpu.memory_space<vmem>>, vector<1x16xf32>,
    %swap3A_157 = arith.constant 6 : i32
    %swap3A_158 = arith.index_cast %swap3A_157 : i32 to index
    %swap3A_159 = arith.constant 32 : index
    %swap3A_160 = tpu.vector_load %arg10[%swap3A_158, %swap3A_159] {strides = array<i32>} : memref<8x64xf32, #tpu.memory_space<vmem>>, vector<1x16xf32>,
    %swap3A_161 = vector.shape_cast %swap3A_160 : vector<1x16xf32> to vector<16xf32>
    %swap3A_162 = vector.shape_cast %broadcast_in_dim3A_1 : vector<16xf32> to vector<1x16xf32>
    tpu.vector_store %arg10[%swap3A_158, %swap3A_159], %swap3A_162 {strides = array<i32>} : memref<8x64xf32, #tpu.memory_space<vmem>>, vector<1x16xf32>,
    %swap3A_163 = arith.constant 6 : i32
    %swap3A_164 = arith.index_cast %swap3A_163 : i32 to index
    %swap3A_165 = arith.constant 48 : index
    %swap3A_166 = tpu.vector_load %arg10[%swap3A_164, %swap3A_165] {strides = array<i32>} : memref<8x64xf32, #tpu.memory_space<vmem>>, vector<1x16xf32>,
    %swap3A_167 = vector.shape_cast %swap3A_166 : vector<1x16xf32> to vector<16xf32>
    %swap3A_168 = vector.shape_cast %broadcast_in_dim3A_1 : vector<16xf32> to vector<1x16xf32>
    tpu.vector_store %arg10[%swap3A_164, %swap3A_165], %swap3A_168 {strides = array<i32>} : memref<8x64xf32, #tpu.memory_space<vmem>>, vector<1x16xf32>,
    %swap3A_169 = arith.constant 7 : i32
    %swap3A_170 = arith.index_cast %swap3A_169 : i32 to index
    %swap3A_171 = arith.constant 0 : index
    %swap3A_172 = tpu.vector_load %arg10[%swap3A_170, %swap3A_171] {strides = array<i32>} : memref<8x64xf32, #tpu.memory_space<vmem>>, vector<1x16xf32>,
    %swap3A_173 = vector.shape_cast %swap3A_172 : vector<1x16xf32> to vector<16xf32>
    %swap3A_174 = vector.shape_cast %broadcast_in_dim3A_1 : vector<16xf32> to vector<1x16xf32>
    tpu.vector_store %arg10[%swap3A_170, %swap3A_171], %swap3A_174 {strides = array<i32>} : memref<8x64xf32, #tpu.memory_space<vmem>>, vector<1x16xf32>,
    %swap3A_175 = arith.constant 7 : i32
    %swap3A_176 = arith.index_cast %swap3A_175 : i32 to index
    %swap3A_177 = arith.constant 16 : index
    %swap3A_178 = tpu.vector_load %arg10[%swap3A_176, %swap3A_177] {strides = array<i32>} : memref<8x64xf32, #tpu.memory_space<vmem>>, vector<1x16xf32>,
    %swap3A_179 = vector.shape_cast %swap3A_178 : vector<1x16xf32> to vector<16xf32>
    %swap3A_180 = vector.shape_cast %broadcast_in_dim3A_1 : vector<16xf32> to vector<1x16xf32>
    tpu.vector_store %arg10[%swap3A_176, %swap3A_177], %swap3A_180 {strides = array<i32>} : memref<8x64xf32, #tpu.memory_space<vmem>>, vector<1x16xf32>,
    %swap3A_181 = arith.constant 7 : i32
    %swap3A_182 = arith.index_cast %swap3A_181 : i32 to index
    %swap3A_183 = arith.constant 32 : index
    %swap3A_184 = tpu.vector_load %arg10[%swap3A_182, %swap3A_183] {strides = array<i32>} : memref<8x64xf32, #tpu.memory_space<vmem>>, vector<1x16xf32>,
    %swap3A_185 = vector.shape_cast %swap3A_184 : vector<1x16xf32> to vector<16xf32>
    %swap3A_186 = vector.shape_cast %broadcast_in_dim3A_1 : vector<16xf32> to vector<1x16xf32>
    tpu.vector_store %arg10[%swap3A_182, %swap3A_183], %swap3A_186 {strides = array<i32>} : memref<8x64xf32, #tpu.memory_space<vmem>>, vector<1x16xf32>,
    %swap3A_187 = arith.constant 7 : i32
    %swap3A_188 = arith.index_cast %swap3A_187 : i32 to index
    %swap3A_189 = arith.constant 48 : index
    %swap3A_190 = tpu.vector_load %arg10[%swap3A_188, %swap3A_189] {strides = array<i32>} : memref<8x64xf32, #tpu.memory_space<vmem>>, vector<1x16xf32>,
    %swap3A_191 = vector.shape_cast %swap3A_190 : vector<1x16xf32> to vector<16xf32>
    %swap3A_192 = vector.shape_cast %broadcast_in_dim3A_1 : vector<16xf32> to vector<1x16xf32>
    tpu.vector_store %arg10[%swap3A_188, %swap3A_189], %swap3A_192 {strides = array<i32>} : memref<8x64xf32, #tpu.memory_space<vmem>>, vector<1x16xf32>,
    %mul3A_193 = arith.constant 632 : i32
    %mul3A_194 = arith.muli %arg1, %mul3A_193 : i32
    %scan3A = arith.constant 0 : i32
    %scan3A_195 = arith.constant 0 : i32
    %scan3A_196 = arith.constant 79 : i32
    %scan3A_197 = arith.addi %scan3A_195, %scan3A_196 : i32
    %scan3A_198 = arith.constant 1 : i32
    %scan3A_199 = scf.for %scan3A_263 = %scan3A_195 to %scan3A_197 step %scan3A_198 iter_args(%scan3A_264 = %scan3A) -> (i32)  : i32 {
      %mul3A_265 = arith.constant 8 : i32
      %mul3A_266 = arith.muli %scan3A_263, %mul3A_265 : i32
      %add3A_267 = arith.addi %mul3A_194, %mul3A_266 : i32
      "tpu.region"() ({
        %run_scoped3A = tpu.sem_alloc : memref<!tpu.dma_semaphore, #tpu.memory_space<semaphore_mem>>
        %dma_start3A_269 = arith.constant 0 : i32
        %dma_start3A_270 = tpu.memref_slice %arg11[%add3A_267, %dma_start3A_269] : memref<10112x64xf32, #tpu.memory_space<vmem_shared>> -> memref<8x64xf32, #tpu.memory_space<vmem_shared>>
        %dma_start3A_271 = arith.constant 0 : i32
        %dma_start3A_272 = tpu.memref_slice %arg11[%add3A_267, %dma_start3A_271] : memref<10112x64xf32, #tpu.memory_space<vmem_shared>> -> memref<8x64xf32, #tpu.memory_space<vmem_shared>>
        tpu.enqueue_dma source(%arg10 : memref<8x64xf32, #tpu.memory_space<vmem>>) target(%dma_start3A_272 : memref<8x64xf32, #tpu.memory_space<vmem_shared>>) target_semaphore(%run_scoped3A : memref<!tpu.dma_semaphore, #tpu.memory_space<semaphore_mem>>)
        %dma_wait3A_273 = arith.constant 0 : i32
        %dma_wait3A_274 = tpu.memref_slice %arg11[%add3A_267, %dma_wait3A_273] : memref<10112x64xf32, #tpu.memory_space<vmem_shared>> -> memref<8x64xf32, #tpu.memory_space<vmem_shared>>
        %dma_wait3A_275 = arith.constant 0 : i32
        %dma_wait3A_276 = tpu.memref_slice %arg11[%add3A_267, %dma_wait3A_275] : memref<10112x64xf32, #tpu.memory_space<vmem_shared>> -> memref<8x64xf32, #tpu.memory_space<vmem_shared>>
        tpu.wait_dma2 semaphore(%run_scoped3A : memref<!tpu.dma_semaphore, #tpu.memory_space<semaphore_mem>>) src(%arg10 : memref<8x64xf32, #tpu.memory_space<vmem>>) dst(%dma_wait3A_276 : memref<8x64xf32, #tpu.memory_space<vmem_shared>>)
        tpu.yield
      }) : () -> ()
      %scan3A_268 = arith.constant 0 : i32
      scf.yield %scan3A_268 : i32
    }
    %scan3A_200 = arith.constant 79 : i32
    %barrier3A = arith.constant 0 : index
    tpu.barrier barrier_id(%barrier3A)
    %dma_start3A = arith.constant 0 : i32
    %dma_start3A_201 = tpu.memref_slice %arg6[%dma_start3A] : memref<20480xi32, #tpu.memory_space<vmem>> -> memref<128xi32, #tpu.memory_space<vmem>>
    %dma_start3A_202 = arith.constant 0 : i32
    %dma_start3A_203 = arith.constant 0 : i32
    %dma_start3A_204 = tpu.memref_slice %arg2[%dma_start3A_202, %dma_start3A_203] : memref<20016x64xf32, #tpu.memory_space<hbm>> -> memref<20016x64xf32, #tpu.memory_space<hbm>>
    tpu.enqueue_indirect_dma source(%dma_start3A_204 : memref<20016x64xf32, #tpu.memory_space<hbm>>) target(%arg8 : memref<128x64xf32, #tpu.memory_space<vmem>>) offsets(%dma_start3A_201 : memref<128xi32, #tpu.memory_space<vmem>>) semaphore(%arg12 : memref<!tpu.dma_semaphore, #tpu.memory_space<semaphore_mem>>)
    %scan3A_205 = arith.constant 0 : i32
    %scan3A_206 = arith.constant 0 : i32
    %scan3A_207 = arith.constant 79 : i32
    %scan3A_208 = arith.addi %scan3A_206, %scan3A_207 : i32
    %scan3A_209 = arith.constant 1 : i32
    %scan3A_210 = scf.for %scan3A_263 = %scan3A_206 to %scan3A_208 step %scan3A_209 iter_args(%scan3A_264 = %scan3A_205) -> (i32)  : i32 {
      %mul3A_265 = arith.constant 2 : i32
      %mul3A_266 = arith.muli %mul3A_265, %scan3A_263 : i32
      %add3A_267 = arith.constant 1 : i32
      %add3A_268 = arith.addi %mul3A_266, %add3A_267 : i32
      %mul3A_269 = arith.constant 128 : i32
      %mul3A_270 = arith.muli %add3A_268, %mul3A_269 : i32
      %dma_start3A_271 = tpu.memref_slice %arg6[%mul3A_270] : memref<20480xi32, #tpu.memory_space<vmem>> -> memref<128xi32, #tpu.memory_space<vmem>>
      %dma_start3A_272 = arith.constant 0 : i32
      %dma_start3A_273 = arith.constant 0 : i32
      %dma_start3A_274 = tpu.memref_slice %arg2[%dma_start3A_272, %dma_start3A_273] : memref<20016x64xf32, #tpu.memory_space<hbm>> -> memref<20016x64xf32, #tpu.memory_space<hbm>>
      tpu.enqueue_indirect_dma source(%dma_start3A_274 : memref<20016x64xf32, #tpu.memory_space<hbm>>) target(%arg9 : memref<128x64xf32, #tpu.memory_space<vmem>>) offsets(%dma_start3A_271 : memref<128xi32, #tpu.memory_space<vmem>>) semaphore(%arg13 : memref<!tpu.dma_semaphore, #tpu.memory_space<semaphore_mem>>)
      %mul3A_275 = arith.constant 128 : i32
      %mul3A_276 = arith.muli %mul3A_266, %mul3A_275 : i32
      %dma_wait3A_277 = tpu.memref_slice %arg6[%mul3A_276] : memref<20480xi32, #tpu.memory_space<vmem>> -> memref<128xi32, #tpu.memory_space<vmem>>
      %dma_wait3A_278 = arith.constant 0 : i32
      %dma_wait3A_279 = arith.constant 0 : i32
      %dma_wait3A_280 = tpu.memref_slice %arg2[%dma_wait3A_278, %dma_wait3A_279] : memref<20016x64xf32, #tpu.memory_space<hbm>> -> memref<20016x64xf32, #tpu.memory_space<hbm>>
      tpu.wait_indirect_dma semaphore(%arg12 : memref<!tpu.dma_semaphore, #tpu.memory_space<semaphore_mem>>) src(%dma_wait3A_280 : memref<20016x64xf32, #tpu.memory_space<hbm>>) dst(%arg8 : memref<128x64xf32, #tpu.memory_space<vmem>>)
      "tpu.region"() ({
        %run_scoped3A = tpu.sem_alloc : memref<!tpu.dma_semaphore, #tpu.memory_space<semaphore_mem>>
        %dma_start3A_300 = arith.constant 0 : i32
        %dma_start3A_301 = tpu.memref_slice %arg7[%mul3A_266, %dma_start3A_300] : memref<160x128xi32, #tpu.memory_space<vmem>> -> memref<1x128xi32, #tpu.memory_space<vmem>>
        %dma_start3A_302 = tpu.memref_squeeze %dma_start3A_301 : memref<1x128xi32, #tpu.memory_space<vmem>> -> memref<128xi32, #tpu.memory_space<vmem>>
        %dma_start3A_303 = arith.constant 0 : i32
        %dma_start3A_304 = arith.constant 0 : i32
        %dma_start3A_305 = tpu.memref_slice %arg11[%dma_start3A_303, %dma_start3A_304] : memref<10112x64xf32, #tpu.memory_space<vmem_shared>> -> memref<10112x64xf32, #tpu.memory_space<vmem_shared>>
        tpu.enqueue_indirect_dma source(%arg8 : memref<128x64xf32, #tpu.memory_space<vmem>>) target(%dma_start3A_305 : memref<10112x64xf32, #tpu.memory_space<vmem_shared>>) offsets(%dma_start3A_302 : memref<128xi32, #tpu.memory_space<vmem>>) semaphore(%run_scoped3A : memref<!tpu.dma_semaphore, #tpu.memory_space<semaphore_mem>>) {add = true}
        %dma_wait3A_306 = arith.constant 0 : i32
        %dma_wait3A_307 = tpu.memref_slice %arg7[%mul3A_266, %dma_wait3A_306] : memref<160x128xi32, #tpu.memory_space<vmem>> -> memref<1x128xi32, #tpu.memory_space<vmem>>
        %dma_wait3A_308 = tpu.memref_squeeze %dma_wait3A_307 : memref<1x128xi32, #tpu.memory_space<vmem>> -> memref<128xi32, #tpu.memory_space<vmem>>
        %dma_wait3A_309 = arith.constant 0 : i32
        %dma_wait3A_310 = arith.constant 0 : i32
        %dma_wait3A_311 = tpu.memref_slice %arg11[%dma_wait3A_309, %dma_wait3A_310] : memref<10112x64xf32, #tpu.memory_space<vmem_shared>> -> memref<10112x64xf32, #tpu.memory_space<vmem_shared>>
        tpu.wait_indirect_dma semaphore(%run_scoped3A : memref<!tpu.dma_semaphore, #tpu.memory_space<semaphore_mem>>) src(%arg8 : memref<128x64xf32, #tpu.memory_space<vmem>>) dst(%dma_wait3A_311 : memref<10112x64xf32, #tpu.memory_space<vmem_shared>>)
        tpu.yield
      }) : () -> ()
      %add3A_281 = arith.constant 2 : i32
      %add3A_282 = arith.addi %mul3A_266, %add3A_281 : i32
      %mul3A_283 = arith.constant 128 : i32
      %mul3A_284 = arith.muli %add3A_282, %mul3A_283 : i32
      %dma_start3A_285 = tpu.memref_slice %arg6[%mul3A_284] : memref<20480xi32, #tpu.memory_space<vmem>> -> memref<128xi32, #tpu.memory_space<vmem>>
      %dma_start3A_286 = arith.constant 0 : i32
      %dma_start3A_287 = arith.constant 0 : i32
      %dma_start3A_288 = tpu.memref_slice %arg2[%dma_start3A_286, %dma_start3A_287] : memref<20016x64xf32, #tpu.memory_space<hbm>> -> memref<20016x64xf32, #tpu.memory_space<hbm>>
      tpu.enqueue_indirect_dma source(%dma_start3A_288 : memref<20016x64xf32, #tpu.memory_space<hbm>>) target(%arg8 : memref<128x64xf32, #tpu.memory_space<vmem>>) offsets(%dma_start3A_285 : memref<128xi32, #tpu.memory_space<vmem>>) semaphore(%arg12 : memref<!tpu.dma_semaphore, #tpu.memory_space<semaphore_mem>>)
      %add3A_289 = arith.constant 1 : i32
      %add3A_290 = arith.addi %mul3A_266, %add3A_289 : i32
      %mul3A_291 = arith.constant 128 : i32
      %mul3A_292 = arith.muli %add3A_290, %mul3A_291 : i32
      %dma_wait3A_293 = tpu.memref_slice %arg6[%mul3A_292] : memref<20480xi32, #tpu.memory_space<vmem>> -> memref<128xi32, #tpu.memory_space<vmem>>
      %dma_wait3A_294 = arith.constant 0 : i32
      %dma_wait3A_295 = arith.constant 0 : i32
      %dma_wait3A_296 = tpu.memref_slice %arg2[%dma_wait3A_294, %dma_wait3A_295] : memref<20016x64xf32, #tpu.memory_space<hbm>> -> memref<20016x64xf32, #tpu.memory_space<hbm>>
      tpu.wait_indirect_dma semaphore(%arg13 : memref<!tpu.dma_semaphore, #tpu.memory_space<semaphore_mem>>) src(%dma_wait3A_296 : memref<20016x64xf32, #tpu.memory_space<hbm>>) dst(%arg9 : memref<128x64xf32, #tpu.memory_space<vmem>>)
      %add3A_297 = arith.constant 1 : i32
      %add3A_298 = arith.addi %mul3A_266, %add3A_297 : i32
      "tpu.region"() ({
        %run_scoped3A = tpu.sem_alloc : memref<!tpu.dma_semaphore, #tpu.memory_space<semaphore_mem>>
        %dma_start3A_300 = arith.constant 0 : i32
        %dma_start3A_301 = tpu.memref_slice %arg7[%add3A_298, %dma_start3A_300] : memref<160x128xi32, #tpu.memory_space<vmem>> -> memref<1x128xi32, #tpu.memory_space<vmem>>
        %dma_start3A_302 = tpu.memref_squeeze %dma_start3A_301 : memref<1x128xi32, #tpu.memory_space<vmem>> -> memref<128xi32, #tpu.memory_space<vmem>>
        %dma_start3A_303 = arith.constant 0 : i32
        %dma_start3A_304 = arith.constant 0 : i32
        %dma_start3A_305 = tpu.memref_slice %arg11[%dma_start3A_303, %dma_start3A_304] : memref<10112x64xf32, #tpu.memory_space<vmem_shared>> -> memref<10112x64xf32, #tpu.memory_space<vmem_shared>>
        tpu.enqueue_indirect_dma source(%arg9 : memref<128x64xf32, #tpu.memory_space<vmem>>) target(%dma_start3A_305 : memref<10112x64xf32, #tpu.memory_space<vmem_shared>>) offsets(%dma_start3A_302 : memref<128xi32, #tpu.memory_space<vmem>>) semaphore(%run_scoped3A : memref<!tpu.dma_semaphore, #tpu.memory_space<semaphore_mem>>) {add = true}
        %dma_wait3A_306 = arith.constant 0 : i32
        %dma_wait3A_307 = tpu.memref_slice %arg7[%add3A_298, %dma_wait3A_306] : memref<160x128xi32, #tpu.memory_space<vmem>> -> memref<1x128xi32, #tpu.memory_space<vmem>>
        %dma_wait3A_308 = tpu.memref_squeeze %dma_wait3A_307 : memref<1x128xi32, #tpu.memory_space<vmem>> -> memref<128xi32, #tpu.memory_space<vmem>>
        %dma_wait3A_309 = arith.constant 0 : i32
        %dma_wait3A_310 = arith.constant 0 : i32
        %dma_wait3A_311 = tpu.memref_slice %arg11[%dma_wait3A_309, %dma_wait3A_310] : memref<10112x64xf32, #tpu.memory_space<vmem_shared>> -> memref<10112x64xf32, #tpu.memory_space<vmem_shared>>
        tpu.wait_indirect_dma semaphore(%run_scoped3A : memref<!tpu.dma_semaphore, #tpu.memory_space<semaphore_mem>>) src(%arg9 : memref<128x64xf32, #tpu.memory_space<vmem>>) dst(%dma_wait3A_311 : memref<10112x64xf32, #tpu.memory_space<vmem_shared>>)
        tpu.yield
      }) : () -> ()
      %scan3A_299 = arith.constant 0 : i32
      scf.yield %scan3A_299 : i32
    }
    %scan3A_211 = arith.constant 79 : i32
    %dma_wait3A = arith.constant 20224 : i32
    %dma_wait3A_212 = tpu.memref_slice %arg6[%dma_wait3A] : memref<20480xi32, #tpu.memory_space<vmem>> -> memref<128xi32, #tpu.memory_space<vmem>>
    %dma_wait3A_213 = arith.constant 0 : i32
    %dma_wait3A_214 = arith.constant 0 : i32
    %dma_wait3A_215 = tpu.memref_slice %arg2[%dma_wait3A_213, %dma_wait3A_214] : memref<20016x64xf32, #tpu.memory_space<hbm>> -> memref<20016x64xf32, #tpu.memory_space<hbm>>
    tpu.wait_indirect_dma semaphore(%arg12 : memref<!tpu.dma_semaphore, #tpu.memory_space<semaphore_mem>>) src(%dma_wait3A_215 : memref<20016x64xf32, #tpu.memory_space<hbm>>) dst(%arg8 : memref<128x64xf32, #tpu.memory_space<vmem>>)
    %barrier3A_216 = arith.constant 0 : index
    tpu.barrier barrier_id(%barrier3A_216)
    %mul3A_217 = arith.constant 624 : i32
    %mul3A_218 = arith.muli %arg1, %mul3A_217 : i32
    %add3A_219 = arith.constant 0 : i32
    %add3A_220 = arith.addi %mul3A_218, %add3A_219 : i32
    "tpu.region"() ({
      %run_scoped3A = tpu.sem_alloc : memref<!tpu.dma_semaphore, #tpu.memory_space<semaphore_mem>>
      %dma_start3A_263 = arith.constant 0 : i32
      %dma_start3A_264 = arith.constant 0 : i32
      %dma_start3A_265 = tpu.memref_slice %arg8[%dma_start3A_263, %dma_start3A_264] : memref<128x64xf32, #tpu.memory_space<vmem>> -> memref<128x64xf32, #tpu.memory_space<vmem>>
      %dma_start3A_266 = arith.constant 0 : i32
      %dma_start3A_267 = tpu.memref_slice %arg11[%add3A_220, %dma_start3A_266] : memref<10112x64xf32, #tpu.memory_space<vmem_shared>> -> memref<128x64xf32, #tpu.memory_space<vmem_shared>>
      %dma_start3A_268 = arith.constant 0 : i32
      %dma_start3A_269 = arith.constant 0 : i32
      %dma_start3A_270 = tpu.memref_slice %arg8[%dma_start3A_268, %dma_start3A_269] : memref<128x64xf32, #tpu.memory_space<vmem>> -> memref<128x64xf32, #tpu.memory_space<vmem>>
      %dma_start3A_271 = arith.constant 0 : i32
      %dma_start3A_272 = tpu.memref_slice %arg11[%add3A_220, %dma_start3A_271] : memref<10112x64xf32, #tpu.memory_space<vmem_shared>> -> memref<128x64xf32, #tpu.memory_space<vmem_shared>>
      tpu.enqueue_dma source(%dma_start3A_272 : memref<128x64xf32, #tpu.memory_space<vmem_shared>>) target(%dma_start3A_270 : memref<128x64xf32, #tpu.memory_space<vmem>>) target_semaphore(%run_scoped3A : memref<!tpu.dma_semaphore, #tpu.memory_space<semaphore_mem>>)
      %dma_wait3A_273 = arith.constant 0 : i32
      %dma_wait3A_274 = arith.constant 0 : i32
      %dma_wait3A_275 = tpu.memref_slice %arg8[%dma_wait3A_273, %dma_wait3A_274] : memref<128x64xf32, #tpu.memory_space<vmem>> -> memref<128x64xf32, #tpu.memory_space<vmem>>
      %dma_wait3A_276 = arith.constant 0 : i32
      %dma_wait3A_277 = tpu.memref_slice %arg11[%add3A_220, %dma_wait3A_276] : memref<10112x64xf32, #tpu.memory_space<vmem_shared>> -> memref<128x64xf32, #tpu.memory_space<vmem_shared>>
      %dma_wait3A_278 = arith.constant 0 : i32
      %dma_wait3A_279 = arith.constant 0 : i32
      %dma_wait3A_280 = tpu.memref_slice %arg8[%dma_wait3A_278, %dma_wait3A_279] : memref<128x64xf32, #tpu.memory_space<vmem>> -> memref<128x64xf32, #tpu.memory_space<vmem>>
      %dma_wait3A_281 = arith.constant 0 : i32
      %dma_wait3A_282 = tpu.memref_slice %arg11[%add3A_220, %dma_wait3A_281] : memref<10112x64xf32, #tpu.memory_space<vmem_shared>> -> memref<128x64xf32, #tpu.memory_space<vmem_shared>>
      tpu.wait_dma2 semaphore(%run_scoped3A : memref<!tpu.dma_semaphore, #tpu.memory_space<semaphore_mem>>) src(%dma_wait3A_282 : memref<128x64xf32, #tpu.memory_space<vmem_shared>>) dst(%dma_wait3A_280 : memref<128x64xf32, #tpu.memory_space<vmem>>)
      tpu.yield
    }) : () -> ()
    %mul3A_221 = arith.constant 10000 : i32
    %mul3A_222 = arith.muli %arg0, %mul3A_221 : i32
    %add3A_223 = arith.addi %mul3A_222, %mul3A_218 : i32
    %add3A_224 = arith.constant 0 : i32
    %add3A_225 = arith.addi %add3A_223, %add3A_224 : i32
    "tpu.region"() ({
      %run_scoped3A = tpu.sem_alloc : memref<!tpu.dma_semaphore, #tpu.memory_space<semaphore_mem>>
      %dma_start3A_263 = arith.constant 0 : i32
      %dma_start3A_264 = arith.constant 0 : i32
      %dma_start3A_265 = tpu.memref_slice %arg8[%dma_start3A_263, %dma_start3A_264] : memref<128x64xf32, #tpu.memory_space<vmem>> -> memref<128x64xf32, #tpu.memory_space<vmem>>
      %dma_start3A_266 = arith.constant 0 : i32
      %dma_start3A_267 = tpu.memref_slice %arg5[%add3A_225, %dma_start3A_266] : memref<20016x64xf32, #tpu.memory_space<hbm>> -> memref<128x64xf32, #tpu.memory_space<hbm>>
      %dma_start3A_268 = arith.constant 0 : i32
      %dma_start3A_269 = tpu.memref_slice %arg5[%add3A_225, %dma_start3A_268] : memref<20016x64xf32, #tpu.memory_space<hbm>> -> memref<128x64xf32, #tpu.memory_space<hbm>>
      %dma_start3A_270 = arith.constant 0 : i32
      %dma_start3A_271 = arith.constant 0 : i32
      %dma_start3A_272 = tpu.memref_slice %arg8[%dma_start3A_270, %dma_start3A_271] : memref<128x64xf32, #tpu.memory_space<vmem>> -> memref<128x64xf32, #tpu.memory_space<vmem>>
      tpu.enqueue_dma source(%dma_start3A_272 : memref<128x64xf32, #tpu.memory_space<vmem>>) target(%dma_start3A_269 : memref<128x64xf32, #tpu.memory_space<hbm>>) target_semaphore(%run_scoped3A : memref<!tpu.dma_semaphore, #tpu.memory_space<semaphore_mem>>)
      %dma_wait3A_273 = arith.constant 0 : i32
      %dma_wait3A_274 = arith.constant 0 : i32
      %dma_wait3A_275 = tpu.memref_slice %arg8[%dma_wait3A_273, %dma_wait3A_274] : memref<128x64xf32, #tpu.memory_space<vmem>> -> memref<128x64xf32, #tpu.memory_space<vmem>>
      %dma_wait3A_276 = arith.constant 0 : i32
      %dma_wait3A_277 = tpu.memref_slice %arg5[%add3A_225, %dma_wait3A_276] : memref<20016x64xf32, #tpu.memory_space<hbm>> -> memref<128x64xf32, #tpu.memory_space<hbm>>
      %dma_wait3A_278 = arith.constant 0 : i32
      %dma_wait3A_279 = tpu.memref_slice %arg5[%add3A_225, %dma_wait3A_278] : memref<20016x64xf32, #tpu.memory_space<hbm>> -> memref<128x64xf32, #tpu.memory_space<hbm>>
      %dma_wait3A_280 = arith.constant 0 : i32
      %dma_wait3A_281 = arith.constant 0 : i32
      %dma_wait3A_282 = tpu.memref_slice %arg8[%dma_wait3A_280, %dma_wait3A_281] : memref<128x64xf32, #tpu.memory_space<vmem>> -> memref<128x64xf32, #tpu.memory_space<vmem>>
      tpu.wait_dma2 semaphore(%run_scoped3A : memref<!tpu.dma_semaphore, #tpu.memory_space<semaphore_mem>>) src(%dma_wait3A_282 : memref<128x64xf32, #tpu.memory_space<vmem>>) dst(%dma_wait3A_279 : memref<128x64xf32, #tpu.memory_space<hbm>>)
      tpu.yield
    }) : () -> ()
    %add3A_226 = arith.constant 128 : i32
    %add3A_227 = arith.addi %mul3A_218, %add3A_226 : i32
    "tpu.region"() ({
      %run_scoped3A = tpu.sem_alloc : memref<!tpu.dma_semaphore, #tpu.memory_space<semaphore_mem>>
      %dma_start3A_263 = arith.constant 0 : i32
      %dma_start3A_264 = arith.constant 0 : i32
      %dma_start3A_265 = tpu.memref_slice %arg8[%dma_start3A_263, %dma_start3A_264] : memref<128x64xf32, #tpu.memory_space<vmem>> -> memref<128x64xf32, #tpu.memory_space<vmem>>
      %dma_start3A_266 = arith.constant 0 : i32
      %dma_start3A_267 = tpu.memref_slice %arg11[%add3A_227, %dma_start3A_266] : memref<10112x64xf32, #tpu.memory_space<vmem_shared>> -> memref<128x64xf32, #tpu.memory_space<vmem_shared>>
      %dma_start3A_268 = arith.constant 0 : i32
      %dma_start3A_269 = arith.constant 0 : i32
      %dma_start3A_270 = tpu.memref_slice %arg8[%dma_start3A_268, %dma_start3A_269] : memref<128x64xf32, #tpu.memory_space<vmem>> -> memref<128x64xf32, #tpu.memory_space<vmem>>
      %dma_start3A_271 = arith.constant 0 : i32
      %dma_start3A_272 = tpu.memref_slice %arg11[%add3A_227, %dma_start3A_271] : memref<10112x64xf32, #tpu.memory_space<vmem_shared>> -> memref<128x64xf32, #tpu.memory_space<vmem_shared>>
      tpu.enqueue_dma source(%dma_start3A_272 : memref<128x64xf32, #tpu.memory_space<vmem_shared>>) target(%dma_start3A_270 : memref<128x64xf32, #tpu.memory_space<vmem>>) target_semaphore(%run_scoped3A : memref<!tpu.dma_semaphore, #tpu.memory_space<semaphore_mem>>)
      %dma_wait3A_273 = arith.constant 0 : i32
      %dma_wait3A_274 = arith.constant 0 : i32
      %dma_wait3A_275 = tpu.memref_slice %arg8[%dma_wait3A_273, %dma_wait3A_274] : memref<128x64xf32, #tpu.memory_space<vmem>> -> memref<128x64xf32, #tpu.memory_space<vmem>>
      %dma_wait3A_276 = arith.constant 0 : i32
      %dma_wait3A_277 = tpu.memref_slice %arg11[%add3A_227, %dma_wait3A_276] : memref<10112x64xf32, #tpu.memory_space<vmem_shared>> -> memref<128x64xf32, #tpu.memory_space<vmem_shared>>
      %dma_wait3A_278 = arith.constant 0 : i32
      %dma_wait3A_279 = arith.constant 0 : i32
      %dma_wait3A_280 = tpu.memref_slice %arg8[%dma_wait3A_278, %dma_wait3A_279] : memref<128x64xf32, #tpu.memory_space<vmem>> -> memref<128x64xf32, #tpu.memory_space<vmem>>
      %dma_wait3A_281 = arith.constant 0 : i32
      %dma_wait3A_282 = tpu.memref_slice %arg11[%add3A_227, %dma_wait3A_281] : memref<10112x64xf32, #tpu.memory_space<vmem_shared>> -> memref<128x64xf32, #tpu.memory_space<vmem_shared>>
      tpu.wait_dma2 semaphore(%run_scoped3A : memref<!tpu.dma_semaphore, #tpu.memory_space<semaphore_mem>>) src(%dma_wait3A_282 : memref<128x64xf32, #tpu.memory_space<vmem_shared>>) dst(%dma_wait3A_280 : memref<128x64xf32, #tpu.memory_space<vmem>>)
      tpu.yield
    }) : () -> ()
    %mul3A_228 = arith.constant 10000 : i32
    %mul3A_229 = arith.muli %arg0, %mul3A_228 : i32
    %add3A_230 = arith.addi %mul3A_229, %mul3A_218 : i32
    %add3A_231 = arith.constant 128 : i32
    %add3A_232 = arith.addi %add3A_230, %add3A_231 : i32
    "tpu.region"() ({
      %run_scoped3A = tpu.sem_alloc : memref<!tpu.dma_semaphore, #tpu.memory_space<semaphore_mem>>
      %dma_start3A_263 = arith.constant 0 : i32
      %dma_start3A_264 = arith.constant 0 : i32
      %dma_start3A_265 = tpu.memref_slice %arg8[%dma_start3A_263, %dma_start3A_264] : memref<128x64xf32, #tpu.memory_space<vmem>> -> memref<128x64xf32, #tpu.memory_space<vmem>>
      %dma_start3A_266 = arith.constant 0 : i32
      %dma_start3A_267 = tpu.memref_slice %arg5[%add3A_232, %dma_start3A_266] : memref<20016x64xf32, #tpu.memory_space<hbm>> -> memref<128x64xf32, #tpu.memory_space<hbm>>
      %dma_start3A_268 = arith.constant 0 : i32
      %dma_start3A_269 = tpu.memref_slice %arg5[%add3A_232, %dma_start3A_268] : memref<20016x64xf32, #tpu.memory_space<hbm>> -> memref<128x64xf32, #tpu.memory_space<hbm>>
      %dma_start3A_270 = arith.constant 0 : i32
      %dma_start3A_271 = arith.constant 0 : i32
      %dma_start3A_272 = tpu.memref_slice %arg8[%dma_start3A_270, %dma_start3A_271] : memref<128x64xf32, #tpu.memory_space<vmem>> -> memref<128x64xf32, #tpu.memory_space<vmem>>
      tpu.enqueue_dma source(%dma_start3A_272 : memref<128x64xf32, #tpu.memory_space<vmem>>) target(%dma_start3A_269 : memref<128x64xf32, #tpu.memory_space<hbm>>) target_semaphore(%run_scoped3A : memref<!tpu.dma_semaphore, #tpu.memory_space<semaphore_mem>>)
      %dma_wait3A_273 = arith.constant 0 : i32
      %dma_wait3A_274 = arith.constant 0 : i32
      %dma_wait3A_275 = tpu.memref_slice %arg8[%dma_wait3A_273, %dma_wait3A_274] : memref<128x64xf32, #tpu.memory_space<vmem>> -> memref<128x64xf32, #tpu.memory_space<vmem>>
      %dma_wait3A_276 = arith.constant 0 : i32
      %dma_wait3A_277 = tpu.memref_slice %arg5[%add3A_232, %dma_wait3A_276] : memref<20016x64xf32, #tpu.memory_space<hbm>> -> memref<128x64xf32, #tpu.memory_space<hbm>>
      %dma_wait3A_278 = arith.constant 0 : i32
      %dma_wait3A_279 = tpu.memref_slice %arg5[%add3A_232, %dma_wait3A_278] : memref<20016x64xf32, #tpu.memory_space<hbm>> -> memref<128x64xf32, #tpu.memory_space<hbm>>
      %dma_wait3A_280 = arith.constant 0 : i32
      %dma_wait3A_281 = arith.constant 0 : i32
      %dma_wait3A_282 = tpu.memref_slice %arg8[%dma_wait3A_280, %dma_wait3A_281] : memref<128x64xf32, #tpu.memory_space<vmem>> -> memref<128x64xf32, #tpu.memory_space<vmem>>
      tpu.wait_dma2 semaphore(%run_scoped3A : memref<!tpu.dma_semaphore, #tpu.memory_space<semaphore_mem>>) src(%dma_wait3A_282 : memref<128x64xf32, #tpu.memory_space<vmem>>) dst(%dma_wait3A_279 : memref<128x64xf32, #tpu.memory_space<hbm>>)
      tpu.yield
    }) : () -> ()
    %add3A_233 = arith.constant 256 : i32
    %add3A_234 = arith.addi %mul3A_218, %add3A_233 : i32
    "tpu.region"() ({
      %run_scoped3A = tpu.sem_alloc : memref<!tpu.dma_semaphore, #tpu.memory_space<semaphore_mem>>
      %dma_start3A_263 = arith.constant 0 : i32
      %dma_start3A_264 = arith.constant 0 : i32
      %dma_start3A_265 = tpu.memref_slice %arg8[%dma_start3A_263, %dma_start3A_264] : memref<128x64xf32, #tpu.memory_space<vmem>> -> memref<128x64xf32, #tpu.memory_space<vmem>>
      %dma_start3A_266 = arith.constant 0 : i32
      %dma_start3A_267 = tpu.memref_slice %arg11[%add3A_234, %dma_start3A_266] : memref<10112x64xf32, #tpu.memory_space<vmem_shared>> -> memref<128x64xf32, #tpu.memory_space<vmem_shared>>
      %dma_start3A_268 = arith.constant 0 : i32
      %dma_start3A_269 = arith.constant 0 : i32
      %dma_start3A_270 = tpu.memref_slice %arg8[%dma_start3A_268, %dma_start3A_269] : memref<128x64xf32, #tpu.memory_space<vmem>> -> memref<128x64xf32, #tpu.memory_space<vmem>>
      %dma_start3A_271 = arith.constant 0 : i32
      %dma_start3A_272 = tpu.memref_slice %arg11[%add3A_234, %dma_start3A_271] : memref<10112x64xf32, #tpu.memory_space<vmem_shared>> -> memref<128x64xf32, #tpu.memory_space<vmem_shared>>
      tpu.enqueue_dma source(%dma_start3A_272 : memref<128x64xf32, #tpu.memory_space<vmem_shared>>) target(%dma_start3A_270 : memref<128x64xf32, #tpu.memory_space<vmem>>) target_semaphore(%run_scoped3A : memref<!tpu.dma_semaphore, #tpu.memory_space<semaphore_mem>>)
      %dma_wait3A_273 = arith.constant 0 : i32
      %dma_wait3A_274 = arith.constant 0 : i32
      %dma_wait3A_275 = tpu.memref_slice %arg8[%dma_wait3A_273, %dma_wait3A_274] : memref<128x64xf32, #tpu.memory_space<vmem>> -> memref<128x64xf32, #tpu.memory_space<vmem>>
      %dma_wait3A_276 = arith.constant 0 : i32
      %dma_wait3A_277 = tpu.memref_slice %arg11[%add3A_234, %dma_wait3A_276] : memref<10112x64xf32, #tpu.memory_space<vmem_shared>> -> memref<128x64xf32, #tpu.memory_space<vmem_shared>>
      %dma_wait3A_278 = arith.constant 0 : i32
      %dma_wait3A_279 = arith.constant 0 : i32
      %dma_wait3A_280 = tpu.memref_slice %arg8[%dma_wait3A_278, %dma_wait3A_279] : memref<128x64xf32, #tpu.memory_space<vmem>> -> memref<128x64xf32, #tpu.memory_space<vmem>>
      %dma_wait3A_281 = arith.constant 0 : i32
      %dma_wait3A_282 = tpu.memref_slice %arg11[%add3A_234, %dma_wait3A_281] : memref<10112x64xf32, #tpu.memory_space<vmem_shared>> -> memref<128x64xf32, #tpu.memory_space<vmem_shared>>
      tpu.wait_dma2 semaphore(%run_scoped3A : memref<!tpu.dma_semaphore, #tpu.memory_space<semaphore_mem>>) src(%dma_wait3A_282 : memref<128x64xf32, #tpu.memory_space<vmem_shared>>) dst(%dma_wait3A_280 : memref<128x64xf32, #tpu.memory_space<vmem>>)
      tpu.yield
    }) : () -> ()
    %mul3A_235 = arith.constant 10000 : i32
    %mul3A_236 = arith.muli %arg0, %mul3A_235 : i32
    %add3A_237 = arith.addi %mul3A_236, %mul3A_218 : i32
    %add3A_238 = arith.constant 256 : i32
    %add3A_239 = arith.addi %add3A_237, %add3A_238 : i32
    "tpu.region"() ({
      %run_scoped3A = tpu.sem_alloc : memref<!tpu.dma_semaphore, #tpu.memory_space<semaphore_mem>>
      %dma_start3A_263 = arith.constant 0 : i32
      %dma_start3A_264 = arith.constant 0 : i32
      %dma_start3A_265 = tpu.memref_slice %arg8[%dma_start3A_263, %dma_start3A_264] : memref<128x64xf32, #tpu.memory_space<vmem>> -> memref<128x64xf32, #tpu.memory_space<vmem>>
      %dma_start3A_266 = arith.constant 0 : i32
      %dma_start3A_267 = tpu.memref_slice %arg5[%add3A_239, %dma_start3A_266] : memref<20016x64xf32, #tpu.memory_space<hbm>> -> memref<128x64xf32, #tpu.memory_space<hbm>>
      %dma_start3A_268 = arith.constant 0 : i32
      %dma_start3A_269 = tpu.memref_slice %arg5[%add3A_239, %dma_start3A_268] : memref<20016x64xf32, #tpu.memory_space<hbm>> -> memref<128x64xf32, #tpu.memory_space<hbm>>
      %dma_start3A_270 = arith.constant 0 : i32
      %dma_start3A_271 = arith.constant 0 : i32
      %dma_start3A_272 = tpu.memref_slice %arg8[%dma_start3A_270, %dma_start3A_271] : memref<128x64xf32, #tpu.memory_space<vmem>> -> memref<128x64xf32, #tpu.memory_space<vmem>>
      tpu.enqueue_dma source(%dma_start3A_272 : memref<128x64xf32, #tpu.memory_space<vmem>>) target(%dma_start3A_269 : memref<128x64xf32, #tpu.memory_space<hbm>>) target_semaphore(%run_scoped3A : memref<!tpu.dma_semaphore, #tpu.memory_space<semaphore_mem>>)
      %dma_wait3A_273 = arith.constant 0 : i32
      %dma_wait3A_274 = arith.constant 0 : i32
      %dma_wait3A_275 = tpu.memref_slice %arg8[%dma_wait3A_273, %dma_wait3A_274] : memref<128x64xf32, #tpu.memory_space<vmem>> -> memref<128x64xf32, #tpu.memory_space<vmem>>
      %dma_wait3A_276 = arith.constant 0 : i32
      %dma_wait3A_277 = tpu.memref_slice %arg5[%add3A_239, %dma_wait3A_276] : memref<20016x64xf32, #tpu.memory_space<hbm>> -> memref<128x64xf32, #tpu.memory_space<hbm>>
      %dma_wait3A_278 = arith.constant 0 : i32
      %dma_wait3A_279 = tpu.memref_slice %arg5[%add3A_239, %dma_wait3A_278] : memref<20016x64xf32, #tpu.memory_space<hbm>> -> memref<128x64xf32, #tpu.memory_space<hbm>>
      %dma_wait3A_280 = arith.constant 0 : i32
      %dma_wait3A_281 = arith.constant 0 : i32
      %dma_wait3A_282 = tpu.memref_slice %arg8[%dma_wait3A_280, %dma_wait3A_281] : memref<128x64xf32, #tpu.memory_space<vmem>> -> memref<128x64xf32, #tpu.memory_space<vmem>>
      tpu.wait_dma2 semaphore(%run_scoped3A : memref<!tpu.dma_semaphore, #tpu.memory_space<semaphore_mem>>) src(%dma_wait3A_282 : memref<128x64xf32, #tpu.memory_space<vmem>>) dst(%dma_wait3A_279 : memref<128x64xf32, #tpu.memory_space<hbm>>)
      tpu.yield
    }) : () -> ()
    %add3A_240 = arith.constant 384 : i32
    %add3A_241 = arith.addi %mul3A_218, %add3A_240 : i32
    "tpu.region"() ({
      %run_scoped3A = tpu.sem_alloc : memref<!tpu.dma_semaphore, #tpu.memory_space<semaphore_mem>>
      %dma_start3A_263 = arith.constant 0 : i32
      %dma_start3A_264 = arith.constant 0 : i32
      %dma_start3A_265 = tpu.memref_slice %arg8[%dma_start3A_263, %dma_start3A_264] : memref<128x64xf32, #tpu.memory_space<vmem>> -> memref<128x64xf32, #tpu.memory_space<vmem>>
      %dma_start3A_266 = arith.constant 0 : i32
      %dma_start3A_267 = tpu.memref_slice %arg11[%add3A_241, %dma_start3A_266] : memref<10112x64xf32, #tpu.memory_space<vmem_shared>> -> memref<128x64xf32, #tpu.memory_space<vmem_shared>>
      %dma_start3A_268 = arith.constant 0 : i32
      %dma_start3A_269 = arith.constant 0 : i32
      %dma_start3A_270 = tpu.memref_slice %arg8[%dma_start3A_268, %dma_start3A_269] : memref<128x64xf32, #tpu.memory_space<vmem>> -> memref<128x64xf32, #tpu.memory_space<vmem>>
      %dma_start3A_271 = arith.constant 0 : i32
      %dma_start3A_272 = tpu.memref_slice %arg11[%add3A_241, %dma_start3A_271] : memref<10112x64xf32, #tpu.memory_space<vmem_shared>> -> memref<128x64xf32, #tpu.memory_space<vmem_shared>>
      tpu.enqueue_dma source(%dma_start3A_272 : memref<128x64xf32, #tpu.memory_space<vmem_shared>>) target(%dma_start3A_270 : memref<128x64xf32, #tpu.memory_space<vmem>>) target_semaphore(%run_scoped3A : memref<!tpu.dma_semaphore, #tpu.memory_space<semaphore_mem>>)
      %dma_wait3A_273 = arith.constant 0 : i32
      %dma_wait3A_274 = arith.constant 0 : i32
      %dma_wait3A_275 = tpu.memref_slice %arg8[%dma_wait3A_273, %dma_wait3A_274] : memref<128x64xf32, #tpu.memory_space<vmem>> -> memref<128x64xf32, #tpu.memory_space<vmem>>
      %dma_wait3A_276 = arith.constant 0 : i32
      %dma_wait3A_277 = tpu.memref_slice %arg11[%add3A_241, %dma_wait3A_276] : memref<10112x64xf32, #tpu.memory_space<vmem_shared>> -> memref<128x64xf32, #tpu.memory_space<vmem_shared>>
      %dma_wait3A_278 = arith.constant 0 : i32
      %dma_wait3A_279 = arith.constant 0 : i32
      %dma_wait3A_280 = tpu.memref_slice %arg8[%dma_wait3A_278, %dma_wait3A_279] : memref<128x64xf32, #tpu.memory_space<vmem>> -> memref<128x64xf32, #tpu.memory_space<vmem>>
      %dma_wait3A_281 = arith.constant 0 : i32
      %dma_wait3A_282 = tpu.memref_slice %arg11[%add3A_241, %dma_wait3A_281] : memref<10112x64xf32, #tpu.memory_space<vmem_shared>> -> memref<128x64xf32, #tpu.memory_space<vmem_shared>>
      tpu.wait_dma2 semaphore(%run_scoped3A : memref<!tpu.dma_semaphore, #tpu.memory_space<semaphore_mem>>) src(%dma_wait3A_282 : memref<128x64xf32, #tpu.memory_space<vmem_shared>>) dst(%dma_wait3A_280 : memref<128x64xf32, #tpu.memory_space<vmem>>)
      tpu.yield
    }) : () -> ()
    %mul3A_242 = arith.constant 10000 : i32
    %mul3A_243 = arith.muli %arg0, %mul3A_242 : i32
    %add3A_244 = arith.addi %mul3A_243, %mul3A_218 : i32
    %add3A_245 = arith.constant 384 : i32
    %add3A_246 = arith.addi %add3A_244, %add3A_245 : i32
    "tpu.region"() ({
      %run_scoped3A = tpu.sem_alloc : memref<!tpu.dma_semaphore, #tpu.memory_space<semaphore_mem>>
      %dma_start3A_263 = arith.constant 0 : i32
      %dma_start3A_264 = arith.constant 0 : i32
      %dma_start3A_265 = tpu.memref_slice %arg8[%dma_start3A_263, %dma_start3A_264] : memref<128x64xf32, #tpu.memory_space<vmem>> -> memref<128x64xf32, #tpu.memory_space<vmem>>
      %dma_start3A_266 = arith.constant 0 : i32
      %dma_start3A_267 = tpu.memref_slice %arg5[%add3A_246, %dma_start3A_266] : memref<20016x64xf32, #tpu.memory_space<hbm>> -> memref<128x64xf32, #tpu.memory_space<hbm>>
      %dma_start3A_268 = arith.constant 0 : i32
      %dma_start3A_269 = tpu.memref_slice %arg5[%add3A_246, %dma_start3A_268] : memref<20016x64xf32, #tpu.memory_space<hbm>> -> memref<128x64xf32, #tpu.memory_space<hbm>>
      %dma_start3A_270 = arith.constant 0 : i32
      %dma_start3A_271 = arith.constant 0 : i32
      %dma_start3A_272 = tpu.memref_slice %arg8[%dma_start3A_270, %dma_start3A_271] : memref<128x64xf32, #tpu.memory_space<vmem>> -> memref<128x64xf32, #tpu.memory_space<vmem>>
      tpu.enqueue_dma source(%dma_start3A_272 : memref<128x64xf32, #tpu.memory_space<vmem>>) target(%dma_start3A_269 : memref<128x64xf32, #tpu.memory_space<hbm>>) target_semaphore(%run_scoped3A : memref<!tpu.dma_semaphore, #tpu.memory_space<semaphore_mem>>)
      %dma_wait3A_273 = arith.constant 0 : i32
      %dma_wait3A_274 = arith.constant 0 : i32
      %dma_wait3A_275 = tpu.memref_slice %arg8[%dma_wait3A_273, %dma_wait3A_274] : memref<128x64xf32, #tpu.memory_space<vmem>> -> memref<128x64xf32, #tpu.memory_space<vmem>>
      %dma_wait3A_276 = arith.constant 0 : i32
      %dma_wait3A_277 = tpu.memref_slice %arg5[%add3A_246, %dma_wait3A_276] : memref<20016x64xf32, #tpu.memory_space<hbm>> -> memref<128x64xf32, #tpu.memory_space<hbm>>
      %dma_wait3A_278 = arith.constant 0 : i32
      %dma_wait3A_279 = tpu.memref_slice %arg5[%add3A_246, %dma_wait3A_278] : memref<20016x64xf32, #tpu.memory_space<hbm>> -> memref<128x64xf32, #tpu.memory_space<hbm>>
      %dma_wait3A_280 = arith.constant 0 : i32
      %dma_wait3A_281 = arith.constant 0 : i32
      %dma_wait3A_282 = tpu.memref_slice %arg8[%dma_wait3A_280, %dma_wait3A_281] : memref<128x64xf32, #tpu.memory_space<vmem>> -> memref<128x64xf32, #tpu.memory_space<vmem>>
      tpu.wait_dma2 semaphore(%run_scoped3A : memref<!tpu.dma_semaphore, #tpu.memory_space<semaphore_mem>>) src(%dma_wait3A_282 : memref<128x64xf32, #tpu.memory_space<vmem>>) dst(%dma_wait3A_279 : memref<128x64xf32, #tpu.memory_space<hbm>>)
      tpu.yield
    }) : () -> ()
    %add3A_247 = arith.constant 512 : i32
    %add3A_248 = arith.addi %mul3A_218, %add3A_247 : i32
    "tpu.region"() ({
      %run_scoped3A = tpu.sem_alloc : memref<!tpu.dma_semaphore, #tpu.memory_space<semaphore_mem>>
      %dma_start3A_263 = arith.constant 0 : i32
      %dma_start3A_264 = arith.constant 0 : i32
      %dma_start3A_265 = tpu.memref_slice %arg8[%dma_start3A_263, %dma_start3A_264] : memref<128x64xf32, #tpu.memory_space<vmem>> -> memref<112x64xf32, #tpu.memory_space<vmem>>
      %dma_start3A_266 = arith.constant 0 : i32
      %dma_start3A_267 = tpu.memref_slice %arg11[%add3A_248, %dma_start3A_266] : memref<10112x64xf32, #tpu.memory_space<vmem_shared>> -> memref<112x64xf32, #tpu.memory_space<vmem_shared>>
      %dma_start3A_268 = arith.constant 0 : i32
      %dma_start3A_269 = arith.constant 0 : i32
      %dma_start3A_270 = tpu.memref_slice %arg8[%dma_start3A_268, %dma_start3A_269] : memref<128x64xf32, #tpu.memory_space<vmem>> -> memref<112x64xf32, #tpu.memory_space<vmem>>
      %dma_start3A_271 = arith.constant 0 : i32
      %dma_start3A_272 = tpu.memref_slice %arg11[%add3A_248, %dma_start3A_271] : memref<10112x64xf32, #tpu.memory_space<vmem_shared>> -> memref<112x64xf32, #tpu.memory_space<vmem_shared>>
      tpu.enqueue_dma source(%dma_start3A_272 : memref<112x64xf32, #tpu.memory_space<vmem_shared>>) target(%dma_start3A_270 : memref<112x64xf32, #tpu.memory_space<vmem>>) target_semaphore(%run_scoped3A : memref<!tpu.dma_semaphore, #tpu.memory_space<semaphore_mem>>)
      %dma_wait3A_273 = arith.constant 0 : i32
      %dma_wait3A_274 = arith.constant 0 : i32
      %dma_wait3A_275 = tpu.memref_slice %arg8[%dma_wait3A_273, %dma_wait3A_274] : memref<128x64xf32, #tpu.memory_space<vmem>> -> memref<112x64xf32, #tpu.memory_space<vmem>>
      %dma_wait3A_276 = arith.constant 0 : i32
      %dma_wait3A_277 = tpu.memref_slice %arg11[%add3A_248, %dma_wait3A_276] : memref<10112x64xf32, #tpu.memory_space<vmem_shared>> -> memref<112x64xf32, #tpu.memory_space<vmem_shared>>
      %dma_wait3A_278 = arith.constant 0 : i32
      %dma_wait3A_279 = arith.constant 0 : i32
      %dma_wait3A_280 = tpu.memref_slice %arg8[%dma_wait3A_278, %dma_wait3A_279] : memref<128x64xf32, #tpu.memory_space<vmem>> -> memref<112x64xf32, #tpu.memory_space<vmem>>
      %dma_wait3A_281 = arith.constant 0 : i32
      %dma_wait3A_282 = tpu.memref_slice %arg11[%add3A_248, %dma_wait3A_281] : memref<10112x64xf32, #tpu.memory_space<vmem_shared>> -> memref<112x64xf32, #tpu.memory_space<vmem_shared>>
      tpu.wait_dma2 semaphore(%run_scoped3A : memref<!tpu.dma_semaphore, #tpu.memory_space<semaphore_mem>>) src(%dma_wait3A_282 : memref<112x64xf32, #tpu.memory_space<vmem_shared>>) dst(%dma_wait3A_280 : memref<112x64xf32, #tpu.memory_space<vmem>>)
      tpu.yield
    }) : () -> ()
    %mul3A_249 = arith.constant 10000 : i32
    %mul3A_250 = arith.muli %arg0, %mul3A_249 : i32
    %add3A_251 = arith.addi %mul3A_250, %mul3A_218 : i32
    %add3A_252 = arith.constant 512 : i32
    %add3A_253 = arith.addi %add3A_251, %add3A_252 : i32
    "tpu.region"() ({
      %run_scoped3A = tpu.sem_alloc : memref<!tpu.dma_semaphore, #tpu.memory_space<semaphore_mem>>
      %dma_start3A_263 = arith.constant 0 : i32
      %dma_start3A_264 = arith.constant 0 : i32
      %dma_start3A_265 = tpu.memref_slice %arg8[%dma_start3A_263, %dma_start3A_264] : memref<128x64xf32, #tpu.memory_space<vmem>> -> memref<112x64xf32, #tpu.memory_space<vmem>>
      %dma_start3A_266 = arith.constant 0 : i32
      %dma_start3A_267 = tpu.memref_slice %arg5[%add3A_253, %dma_start3A_266] : memref<20016x64xf32, #tpu.memory_space<hbm>> -> memref<112x64xf32, #tpu.memory_space<hbm>>
      %dma_start3A_268 = arith.constant 0 : i32
      %dma_start3A_269 = tpu.memref_slice %arg5[%add3A_253, %dma_start3A_268] : memref<20016x64xf32, #tpu.memory_space<hbm>> -> memref<112x64xf32, #tpu.memory_space<hbm>>
      %dma_start3A_270 = arith.constant 0 : i32
      %dma_start3A_271 = arith.constant 0 : i32
      %dma_start3A_272 = tpu.memref_slice %arg8[%dma_start3A_270, %dma_start3A_271] : memref<128x64xf32, #tpu.memory_space<vmem>> -> memref<112x64xf32, #tpu.memory_space<vmem>>
      tpu.enqueue_dma source(%dma_start3A_272 : memref<112x64xf32, #tpu.memory_space<vmem>>) target(%dma_start3A_269 : memref<112x64xf32, #tpu.memory_space<hbm>>) target_semaphore(%run_scoped3A : memref<!tpu.dma_semaphore, #tpu.memory_space<semaphore_mem>>)
      %dma_wait3A_273 = arith.constant 0 : i32
      %dma_wait3A_274 = arith.constant 0 : i32
      %dma_wait3A_275 = tpu.memref_slice %arg8[%dma_wait3A_273, %dma_wait3A_274] : memref<128x64xf32, #tpu.memory_space<vmem>> -> memref<112x64xf32, #tpu.memory_space<vmem>>
      %dma_wait3A_276 = arith.constant 0 : i32
      %dma_wait3A_277 = tpu.memref_slice %arg5[%add3A_253, %dma_wait3A_276] : memref<20016x64xf32, #tpu.memory_space<hbm>> -> memref<112x64xf32, #tpu.memory_space<hbm>>
      %dma_wait3A_278 = arith.constant 0 : i32
      %dma_wait3A_279 = tpu.memref_slice %arg5[%add3A_253, %dma_wait3A_278] : memref<20016x64xf32, #tpu.memory_space<hbm>> -> memref<112x64xf32, #tpu.memory_space<hbm>>
      %dma_wait3A_280 = arith.constant 0 : i32
      %dma_wait3A_281 = arith.constant 0 : i32
      %dma_wait3A_282 = tpu.memref_slice %arg8[%dma_wait3A_280, %dma_wait3A_281] : memref<128x64xf32, #tpu.memory_space<vmem>> -> memref<112x64xf32, #tpu.memory_space<vmem>>
      tpu.wait_dma2 semaphore(%run_scoped3A : memref<!tpu.dma_semaphore, #tpu.memory_space<semaphore_mem>>) src(%dma_wait3A_282 : memref<112x64xf32, #tpu.memory_space<vmem>>) dst(%dma_wait3A_279 : memref<112x64xf32, #tpu.memory_space<hbm>>)
      tpu.yield
    }) : () -> ()
    %eq3A = arith.constant 0 : i32
    %eq3A_254 = arith.cmpi eq, %arg1, %eq3A : i32
    %convert_element_type3A = arith.extui %eq3A_254 : i1 to i32
    %cond3A = arith.constant 0 : i32
    %cond3A_255 = arith.cmpi ne, %convert_element_type3A, %cond3A : i32
    scf.if %cond3A_255 {
      "tpu.region"() ({
        %run_scoped3A = tpu.sem_alloc : memref<!tpu.dma_semaphore, #tpu.memory_space<semaphore_mem>>
        %dma_start3A_267 = arith.constant 0 : i32
        %dma_start3A_268 = arith.constant 0 : i32
        %dma_start3A_269 = tpu.memref_slice %arg9[%dma_start3A_267, %dma_start3A_268] : memref<128x64xf32, #tpu.memory_space<vmem>> -> memref<16x64xf32, #tpu.memory_space<vmem>>
        %dma_start3A_270 = arith.constant 9984 : i32
        %dma_start3A_271 = arith.constant 0 : i32
        %dma_start3A_272 = tpu.memref_slice %arg11[%dma_start3A_270, %dma_start3A_271] : memref<10112x64xf32, #tpu.memory_space<vmem_shared>> -> memref<16x64xf32, #tpu.memory_space<vmem_shared>>
        %dma_start3A_273 = arith.constant 0 : i32
        %dma_start3A_274 = arith.constant 0 : i32
        %dma_start3A_275 = tpu.memref_slice %arg9[%dma_start3A_273, %dma_start3A_274] : memref<128x64xf32, #tpu.memory_space<vmem>> -> memref<16x64xf32, #tpu.memory_space<vmem>>
        %dma_start3A_276 = arith.constant 9984 : i32
        %dma_start3A_277 = arith.constant 0 : i32
        %dma_start3A_278 = tpu.memref_slice %arg11[%dma_start3A_276, %dma_start3A_277] : memref<10112x64xf32, #tpu.memory_space<vmem_shared>> -> memref<16x64xf32, #tpu.memory_space<vmem_shared>>
        tpu.enqueue_dma source(%dma_start3A_278 : memref<16x64xf32, #tpu.memory_space<vmem_shared>>) target(%dma_start3A_275 : memref<16x64xf32, #tpu.memory_space<vmem>>) target_semaphore(%run_scoped3A : memref<!tpu.dma_semaphore, #tpu.memory_space<semaphore_mem>>)
        %dma_wait3A_279 = arith.constant 0 : i32
        %dma_wait3A_280 = arith.constant 0 : i32
        %dma_wait3A_281 = tpu.memref_slice %arg9[%dma_wait3A_279, %dma_wait3A_280] : memref<128x64xf32, #tpu.memory_space<vmem>> -> memref<16x64xf32, #tpu.memory_space<vmem>>
        %dma_wait3A_282 = arith.constant 9984 : i32
        %dma_wait3A_283 = arith.constant 0 : i32
        %dma_wait3A_284 = tpu.memref_slice %arg11[%dma_wait3A_282, %dma_wait3A_283] : memref<10112x64xf32, #tpu.memory_space<vmem_shared>> -> memref<16x64xf32, #tpu.memory_space<vmem_shared>>
        %dma_wait3A_285 = arith.constant 0 : i32
        %dma_wait3A_286 = arith.constant 0 : i32
        %dma_wait3A_287 = tpu.memref_slice %arg9[%dma_wait3A_285, %dma_wait3A_286] : memref<128x64xf32, #tpu.memory_space<vmem>> -> memref<16x64xf32, #tpu.memory_space<vmem>>
        %dma_wait3A_288 = arith.constant 9984 : i32
        %dma_wait3A_289 = arith.constant 0 : i32
        %dma_wait3A_290 = tpu.memref_slice %arg11[%dma_wait3A_288, %dma_wait3A_289] : memref<10112x64xf32, #tpu.memory_space<vmem_shared>> -> memref<16x64xf32, #tpu.memory_space<vmem_shared>>
        tpu.wait_dma2 semaphore(%run_scoped3A : memref<!tpu.dma_semaphore, #tpu.memory_space<semaphore_mem>>) src(%dma_wait3A_290 : memref<16x64xf32, #tpu.memory_space<vmem_shared>>) dst(%dma_wait3A_287 : memref<16x64xf32, #tpu.memory_space<vmem>>)
        tpu.yield
      }) : () -> ()
      %mul3A_263 = arith.constant 10000 : i32
      %mul3A_264 = arith.muli %arg0, %mul3A_263 : i32
      %add3A_265 = arith.constant 9984 : i32
      %add3A_266 = arith.addi %mul3A_264, %add3A_265 : i32
      "tpu.region"() ({
        %run_scoped3A = tpu.sem_alloc : memref<!tpu.dma_semaphore, #tpu.memory_space<semaphore_mem>>
        %dma_start3A_267 = arith.constant 0 : i32
        %dma_start3A_268 = arith.constant 0 : i32
        %dma_start3A_269 = tpu.memref_slice %arg9[%dma_start3A_267, %dma_start3A_268] : memref<128x64xf32, #tpu.memory_space<vmem>> -> memref<16x64xf32, #tpu.memory_space<vmem>>
        %dma_start3A_270 = arith.constant 0 : i32
        %dma_start3A_271 = tpu.memref_slice %arg5[%add3A_266, %dma_start3A_270] : memref<20016x64xf32, #tpu.memory_space<hbm>> -> memref<16x64xf32, #tpu.memory_space<hbm>>
        %dma_start3A_272 = arith.constant 0 : i32
        %dma_start3A_273 = tpu.memref_slice %arg5[%add3A_266, %dma_start3A_272] : memref<20016x64xf32, #tpu.memory_space<hbm>> -> memref<16x64xf32, #tpu.memory_space<hbm>>
        %dma_start3A_274 = arith.constant 0 : i32
        %dma_start3A_275 = arith.constant 0 : i32
        %dma_start3A_276 = tpu.memref_slice %arg9[%dma_start3A_274, %dma_start3A_275] : memref<128x64xf32, #tpu.memory_space<vmem>> -> memref<16x64xf32, #tpu.memory_space<vmem>>
        tpu.enqueue_dma source(%dma_start3A_276 : memref<16x64xf32, #tpu.memory_space<vmem>>) target(%dma_start3A_273 : memref<16x64xf32, #tpu.memory_space<hbm>>) target_semaphore(%run_scoped3A : memref<!tpu.dma_semaphore, #tpu.memory_space<semaphore_mem>>)
        %dma_wait3A_277 = arith.constant 0 : i32
        %dma_wait3A_278 = arith.constant 0 : i32
        %dma_wait3A_279 = tpu.memref_slice %arg9[%dma_wait3A_277, %dma_wait3A_278] : memref<128x64xf32, #tpu.memory_space<vmem>> -> memref<16x64xf32, #tpu.memory_space<vmem>>
        %dma_wait3A_280 = arith.constant 0 : i32
        %dma_wait3A_281 = tpu.memref_slice %arg5[%add3A_266, %dma_wait3A_280] : memref<20016x64xf32, #tpu.memory_space<hbm>> -> memref<16x64xf32, #tpu.memory_space<hbm>>
        %dma_wait3A_282 = arith.constant 0 : i32
        %dma_wait3A_283 = tpu.memref_slice %arg5[%add3A_266, %dma_wait3A_282] : memref<20016x64xf32, #tpu.memory_space<hbm>> -> memref<16x64xf32, #tpu.memory_space<hbm>>
        %dma_wait3A_284 = arith.constant 0 : i32
        %dma_wait3A_285 = arith.constant 0 : i32
        %dma_wait3A_286 = tpu.memref_slice %arg9[%dma_wait3A_284, %dma_wait3A_285] : memref<128x64xf32, #tpu.memory_space<vmem>> -> memref<16x64xf32, #tpu.memory_space<vmem>>
        tpu.wait_dma2 semaphore(%run_scoped3A : memref<!tpu.dma_semaphore, #tpu.memory_space<semaphore_mem>>) src(%dma_wait3A_286 : memref<16x64xf32, #tpu.memory_space<vmem>>) dst(%dma_wait3A_283 : memref<16x64xf32, #tpu.memory_space<hbm>>)
        tpu.yield
      }) : () -> ()
    } else {
    }
    %eq3A_256 = arith.constant 0 : i32
    %eq3A_257 = arith.cmpi eq, %arg1, %eq3A_256 : i32
    %eq3A_258 = arith.constant 0 : i32
    %eq3A_259 = arith.cmpi eq, %arg0, %eq3A_258 : i32
    %and3A = arith.andi %eq3A_257, %eq3A_259 : i1
    %convert_element_type3A_260 = arith.extui %and3A : i1 to i32
    %cond3A_261 = arith.constant 0 : i32
    %cond3A_262 = arith.cmpi ne, %convert_element_type3A_260, %cond3A_261 : i32
    scf.if %cond3A_262 {
      "tpu.region"() ({
        %run_scoped3A = tpu.sem_alloc : memref<!tpu.dma_semaphore, #tpu.memory_space<semaphore_mem>>
        %dma_start3A_263 = arith.constant 20000 : i32
        %dma_start3A_264 = arith.constant 0 : i32
        %dma_start3A_265 = tpu.memref_slice %arg5[%dma_start3A_263, %dma_start3A_264] : memref<20016x64xf32, #tpu.memory_space<hbm>> -> memref<8x64xf32, #tpu.memory_space<hbm>>
        %dma_start3A_266 = arith.constant 20000 : i32
        %dma_start3A_267 = arith.constant 0 : i32
        %dma_start3A_268 = tpu.memref_slice %arg5[%dma_start3A_266, %dma_start3A_267] : memref<20016x64xf32, #tpu.memory_space<hbm>> -> memref<8x64xf32, #tpu.memory_space<hbm>>
        tpu.enqueue_dma source(%arg10 : memref<8x64xf32, #tpu.memory_space<vmem>>) target(%dma_start3A_268 : memref<8x64xf32, #tpu.memory_space<hbm>>) target_semaphore(%run_scoped3A : memref<!tpu.dma_semaphore, #tpu.memory_space<semaphore_mem>>)
        %dma_wait3A_269 = arith.constant 20000 : i32
        %dma_wait3A_270 = arith.constant 0 : i32
        %dma_wait3A_271 = tpu.memref_slice %arg5[%dma_wait3A_269, %dma_wait3A_270] : memref<20016x64xf32, #tpu.memory_space<hbm>> -> memref<8x64xf32, #tpu.memory_space<hbm>>
        %dma_wait3A_272 = arith.constant 20000 : i32
        %dma_wait3A_273 = arith.constant 0 : i32
        %dma_wait3A_274 = tpu.memref_slice %arg5[%dma_wait3A_272, %dma_wait3A_273] : memref<20016x64xf32, #tpu.memory_space<hbm>> -> memref<8x64xf32, #tpu.memory_space<hbm>>
        tpu.wait_dma2 semaphore(%run_scoped3A : memref<!tpu.dma_semaphore, #tpu.memory_space<semaphore_mem>>) src(%arg10 : memref<8x64xf32, #tpu.memory_space<vmem>>) dst(%dma_wait3A_274 : memref<8x64xf32, #tpu.memory_space<hbm>>)
        tpu.yield
      }) : () -> ()
      "tpu.region"() ({
        %run_scoped3A = tpu.sem_alloc : memref<!tpu.dma_semaphore, #tpu.memory_space<semaphore_mem>>
        %dma_start3A_263 = arith.constant 20008 : i32
        %dma_start3A_264 = arith.constant 0 : i32
        %dma_start3A_265 = tpu.memref_slice %arg5[%dma_start3A_263, %dma_start3A_264] : memref<20016x64xf32, #tpu.memory_space<hbm>> -> memref<8x64xf32, #tpu.memory_space<hbm>>
        %dma_start3A_266 = arith.constant 20008 : i32
        %dma_start3A_267 = arith.constant 0 : i32
        %dma_start3A_268 = tpu.memref_slice %arg5[%dma_start3A_266, %dma_start3A_267] : memref<20016x64xf32, #tpu.memory_space<hbm>> -> memref<8x64xf32, #tpu.memory_space<hbm>>
        tpu.enqueue_dma source(%arg10 : memref<8x64xf32, #tpu.memory_space<vmem>>) target(%dma_start3A_268 : memref<8x64xf32, #tpu.memory_space<hbm>>) target_semaphore(%run_scoped3A : memref<!tpu.dma_semaphore, #tpu.memory_space<semaphore_mem>>)
        %dma_wait3A_269 = arith.constant 20008 : i32
        %dma_wait3A_270 = arith.constant 0 : i32
        %dma_wait3A_271 = tpu.memref_slice %arg5[%dma_wait3A_269, %dma_wait3A_270] : memref<20016x64xf32, #tpu.memory_space<hbm>> -> memref<8x64xf32, #tpu.memory_space<hbm>>
        %dma_wait3A_272 = arith.constant 20008 : i32
        %dma_wait3A_273 = arith.constant 0 : i32
        %dma_wait3A_274 = tpu.memref_slice %arg5[%dma_wait3A_272, %dma_wait3A_273] : memref<20016x64xf32, #tpu.memory_space<hbm>> -> memref<8x64xf32, #tpu.memory_space<hbm>>
        tpu.wait_dma2 semaphore(%run_scoped3A : memref<!tpu.dma_semaphore, #tpu.memory_space<semaphore_mem>>) src(%arg10 : memref<8x64xf32, #tpu.memory_space<vmem>>) dst(%dma_wait3A_274 : memref<8x64xf32, #tpu.memory_space<hbm>>)
        tpu.yield
      }) : () -> ()
    } else {
    }
    return
  }
}

</mosaic_0001>

<sc_bundles>
// kernel: _sc_propagate.3.cloned.1.call-start
scs
__scs_entry_jumppad:
0x0: {  	(pc) =	sbr.rel $0x88, $3  }
0x1: {  	(tag) =	ssettag $0x0;
	lr =	simm.s32 $0x1  }
0x2: {  	[smem:$0x3F9E] =	sst lr;
	_ =	strace $0xD0000000  }
0x3: {  	_ = 	snop  }
0x4: {  	_ = 	snop  }
0x5: {  	_ = 	snop  }
0x6: {  	_ = 	snop  }
0x7: {  	_ = 	snop  }
__scs_overlays_trampoline_lowered:
0x8: {  	[smem:$0x3FAD] =	sst s0  }
0x9: {  	[smem:$0x3FAE] =	sst s1  }
0xa: {  	[smem:$0x3FAF] =	sst s2  }
0xb: {  	[smem:$0x3FB0] =	sst s3  }
0xc: {  	[smem:$0x3FB1] =	sst s4  }
0xd: {  	[smem:$0x3FB2] =	sst s5  }
0xe: {  	[smem:$0x3FB3] =	sst s6  }
0xf: {  	[smem:$0x3FB4] =	sst s7  }
0x10: {  	[smem:$0x3FB5] =	sst s8  }
0x11: {  	[smem:$0x3FB6] =	sst s9;
	s0 =	simm.s32 @!p0 $0x0  }
0x12: {  	s1 =	sld [smem:$0x3F9C];
	s0 =	simm.s32 @p0 $0x1  }
0x13: {  	[smem:$0x3FB7] =	sst s0;
	s0 =	simm.s32 @!p1 $0x0  }
0x14: {  	s2 =	sld [smem:$0x3F9B];
	s0 =	simm.s32 @p1 $0x1  }
0x15: {  	[smem:$0x3FB8] =	sst s0;
	s0 =	simm.s32 @!p2 $0x0  }
0x16: {  	s3 =	sld [smem:$0x3FDB];
	s0 =	simm.s32 @p2 $0x1  }
0x17: {  	s4 =	simm.s32 $0x1BF5;
	[smem:$0x3FBA] =	sst s0  }
0x18: {  	s0 =	sld [smem:$0x3F9D];
	_ =	swait.ge [sflag:s4], $0x0  }
0x19: {  	s7 =	sld [smem:$0x3F9E]  }
0x1a: {  	s8 =	sadd.s32 $0xFFFFE003, lr  }
0x1b: {  	s9 =	sadd.s32 $0xFFFFFEF7, lr;
	s5 =	simm.s32 $0xFFFFFFFF;
	p2 =	slt.u32 s8, $0xFFFFF086  }
0x1c: {  	p1 =	slt.u32 s9, $0xF7A;
	s5 =	simm.s32 @!p2 $0x0  }
0x1d: {  	s5 =	simm.s32 @p1 $0x1;
	p0 =	seq.s32 s7, s2  }
0x1e: {  	s7 =	smul.u32 @!p0 $0xF7A, s2;
	p2 =	seq.s32 @!p0 s5, $0x0  }
0x1f: {  	s9 =	smul.u32 $0xF7A, s1;
	s8 =	simm.s32 @!p0 $0x1BF5;
	p2 =	por !p2, p0  }
0x20: {  	[sflag:s8] =	ssyncset.s32 @!p0 $0xFFFFF086;
	s6 =	sadd.s32 @!p0 s3, s7;
	s7 =	simm.s32 @!p0 $0x108  }
0x21: {  	s3 =	sadd.s32 s3, s9;
	s6 =	sadd.s32 @!p0 $0x88, s6;
	s7 =	simm.s32 @p2 $0x1082  }
0x22: {  	[simem:s7], [sflag:s8] =	dma.local @!p0 [hbm:s6], $0xF7A  }
0x23: {  	s9 =	sor.u32 $0xD0000000, s2;
	s6 =	simm.s32 $0x108;
	_ =	swait.ge @!p0 [sflag:s8], $0x0  }
0x24: {  	s3 =	sadd.s32 $0x88, s3;
	s6 =	simm.s32 @!p1 $0x1082;
	[sflag:s4] =	ssyncset.s32 $0xFFFFF086  }
0x25: {  	[simem:s6], [sflag:s4] =	dma.local [hbm:s3], $0xF7A  }
0x26: {  	[smem:$0x3F9E] =	sst s1;
	(tag) =	ssettag s2;
	_ =	strace s9  }
0x27: {  	s1 =	sld [smem:$0x3FAE]  }
0x28: {  	s2 =	sld [smem:$0x3FAF]  }
0x29: {  	s4 =	sld [smem:$0x3FB1]  }
0x2a: {  	p0 =	seq.s32 s5, $0x0;
	s5 =	sld [smem:$0x3FB2]  }
0x2b: {  	s6 =	sld [smem:$0x3FB3]  }
0x2c: {  	s7 =	sld [smem:$0x3FB4]  }
0x2d: {  	s3 =	simm.s32 $0x108;
	s8 =	sld [smem:$0x3FB5]  }
0x2e: {  	s3 =	simm.s32 @!p0 $0x1082;
	s9 =	sld [smem:$0x3FB6]  }
0x2f: {  	lr =	sadd.s32 s0, s3;
	s0 =	sld [smem:$0x3FAD]  }
0x30: {  	s3 =	sld [smem:$0x3FB0]  }
0x31: {  	[smem:$0x3FB9] =	sst s10  }
0x32: {  	s10 =	sld [smem:$0x3FB7];
	_ =	sdelay $0x3  }
0x33: {  	p0 =	seq.s32 s10, $0x1;
	s10 =	sld [smem:$0x3FB9];
	_ =	sdelay $0x3  }
0x34: {  	[smem:$0x3FB9] =	sst s10  }
0x35: {  	s10 =	sld [smem:$0x3FB8];
	_ =	sdelay $0x3  }
0x36: {  	p1 =	seq.s32 s10, $0x1;
	s10 =	sld [smem:$0x3FB9];
	_ =	sdelay $0x3  }
0x37: {  	[smem:$0x3FB9] =	sst s10  }
0x38: {  	s10 =	sld [smem:$0x3FBA]  }
0x39: {  	_ = 	snop;
	(pc) =	sbr.ind lr, $3  }
0x3a: {  	_ = 	snop  }
0x3b: {  	_ = 	snop  }
0x3c: {  	p2 =	seq.s32 s10, $0x1;
	s10 =	sld [smem:$0x3FB9]  }
0x3d: {  	_ =	shalt  }
0x3e: {  	_ =	shalt  }
0x3f: {  	_ =	shalt  }
0x40: {  	_ =	shalt  }
0x41: {  	_ =	shalt  }
0x42: {  	_ =	shalt  }
0x43: {  	_ =	shalt  }
0x44: {  	_ =	shalt  }
0x45: {  	_ =	shalt  }
0x46: {  	_ =	shalt  }
0x47: {  	_ =	shalt  }
0x48: {  	_ =	shalt  }
0x49: {  	_ =	shalt  }
0x4a: {  	_ =	shalt  }
0x4b: {  	_ =	shalt  }
0x4c: {  	_ =	shalt  }
0x4d: {  	_ =	shalt  }
0x4e: {  	_ =	shalt  }
0x4f: {  	_ =	shalt  }
0x50: {  	_ =	shalt  }
0x51: {  	_ =	shalt  }
0x52: {  	_ =	shalt  }
0x53: {  	_ =	shalt  }
0x54: {  	_ =	shalt  }
0x55: {  	_ =	shalt  }
0x56: {  	_ =	shalt  }
0x57: {  	_ =	shalt  }
0x58: {  	_ =	shalt  }
0x59: {  	_ =	shalt  }
0x5a: {  	_ =	shalt  }
0x5b: {  	_ =	shalt  }
0x5c: {  	_ =	shalt  }
0x5d: {  	_ =	shalt  }
0x5e: {  	_ =	shalt  }
0x5f: {  	_ =	shalt  }
0x60: {  	_ =	shalt  }
0x61: {  	_ =	shalt  }
0x62: {  	_ =	shalt  }
0x63: {  	_ =	shalt  }
0x64: {  	_ =	shalt  }
0x65: {  	_ =	shalt  }
0x66: {  	_ =	shalt  }
0x67: {  	_ =	shalt  }
0x68: {  	_ =	shalt  }
0x69: {  	_ =	shalt  }
0x6a: {  	_ =	shalt  }
0x6b: {  	_ =	shalt  }
0x6c: {  	_ =	shalt  }
0x6d: {  	_ =	shalt  }
0x6e: {  	_ =	shalt  }
0x6f: {  	_ =	shalt  }
0x70: {  	_ =	shalt  }
0x71: {  	_ =	shalt  }
0x72: {  	_ =	shalt  }
0x73: {  	_ =	shalt  }
0x74: {  	_ =	shalt  }
0x75: {  	_ =	shalt  }
0x76: {  	_ =	shalt  }
0x77: {  	_ =	shalt  }
0x78: {  	_ =	shalt  }
0x79: {  	_ =	shalt  }
0x7a: {  	_ =	shalt  }
0x7b: {  	_ =	shalt  }
0x7c: {  	_ =	shalt  }
0x7d: {  	_ =	shalt  }
0x7e: {  	_ =	shalt  }
0x7f: {  	_ =	shalt  }
0x80: {  	_ =	shalt  }
0x81: {  	_ =	shalt  }
0x82: {  	_ =	shalt  }
0x83: {  	_ =	shalt  }
0x84: {  	_ =	shalt  }
0x85: {  	_ =	shalt  }
0x86: {  	_ =	shalt  }
0x87: {  	_ =	shalt  }
.Lfunc_end0:
.L_simem_size_0:
called_computation_lowered:
.L_overlay_start_0:
0x88: {  	s2 =	sld [smem:$0x3FD9]  }
0x89: {  	s3 =	sld [smem:$0x3FFE];
	_ =	sdelay $0x1  }
0x8a: {  	s1 =	srdreg.scid  }
0x8b: {  	s0 =	sand.u32 $0x1, s1  }
0x8c: {  	s17 =	sshll.u32 s0, $0xA;
	s2 =	sadd.s32 s3, s2  }
0x8d: {  	s2 =	sadd.s32 s2, s17  }
0x8e: {  	[smem:$0x3FC5] =	sst s2  }
0x8f: {  	_ = 	snop  }
0x90: {  	s2 =	sld [smem:$0x3FC7]  }
0x91: {  	s18 =	sld [smem:$0x3FD0];
	(tm) =	ssettm $0x1  }
0x92: {  	s4 =	sld [smem:$0x3FFB];
	_ =	sdelay $0x3  }
0x93: {  	_ =	strace s4  }
0x94: {  	s4 =	sld [smem:$0x3FFC];
	_ =	sdelay $0x3  }
0x95: {  	_ =	strace s4  }
0x96: {  	s4 =	sld [smem:$0x3FFD];
	_ =	sdelay $0x3  }
0x97: {  	_ =	strace s4  }
0x98: {  	_ =	strace $0x8FFFFFFF  }
0x99: {  	s19 =	sld [smem:$0x3FDB];
	_ =	sdelay $0x1  }
0x9a: {  	s5 =	simm.s32 $_scs_section_size  }
0x9b: {  	s6 =	simm.s32 $_size__tile_overlayer_lowered;
	s7 =	simm.s32 $_tile_overlayer_lowered  }
0x9c: {  	s22 =	simm.s32 $0x1BFF;
	s21 =	sshll.u32 s7, $0x1;
	s4 =	sadd.s32 s5, s19  }
0x9d: {  	s8 =	simm.s32 $0x0;
	s20 =	sshll.u32 s6, $0x1;
	s6 =	sadd.s32 s21, s4  }
0x9e: {  	[timem:s8], [sflag:s22] =	dma.local [hbm:s6], s20  }
0x9f: {  	_ =	swait.ge [sflag:s22], s20  }
0xa0: {  	s5 =	ssub.s32 $0x0, s20;
	[sflag:s22] =	ssyncset.done $0x0  }
0xa1: {  	[sflag:s22] =	ssyncadd.s32 s5;
	_ =	sdelay $0x1  }
0xa2: {  	s23 =	simm.s32 $0x1B8B  }
0xa3: {  	_ =	swait.ge [sflag:s23], $0x1  }
0xa4: {  	[sflag:s23] =	ssyncset.done $0x0  }
0xa5: {  	s25 =	simm.s32 $0x1B8E;
	s24 =	sld [smem:$0x3FFE];
	[sflag:s23] =	ssyncadd.s32 $0xFFFFFFFF  }
0xa6: {  	s26 =	simm.s32 $execute0_lowered;
	[smem:$0x3FD2] =	sst s25  }
0xa7: {  	s6 =	sshll.u32 s26, $0x1;
	_ =	strace $0x80000046;
	[dreg:$0x1] =	wrdreg $0xFFFFFFFF  }
0xa8: {  	s28 =	simm.s32 $_size_execute0_lowered;
	s4 =	sadd.s32 s4, s6;
	[dreg:$0x0] =	wrdreg $0x0  }
0xa9: {  	s6 =	sshll.u32 s28, $0x1;
	[dreg:$0x2] =	wrdreg s4  }
0xaa: {  	[dreg:$0x3] =	wrdreg s6  }
0xab: {  	[dreg:$0x4] =	wrdreg $0xC0  }
0xac: {  	_ =	task [dreg:s8], $0x5FFFF  }
0xad: {  	[dreg:$0x1] =	wrdreg $0xFFFFFFFF  }
0xae: {  	[dreg:$0x0] =	wrdreg $0x60  }
0xaf: {  	[dreg:$0x2] =	wrdreg s18  }
0xb0: {  	[dreg:$0x3] =	wrdreg s24  }
0xb1: {  	[dreg:$0x4] =	wrdreg s2  }
0xb2: {  	[dreg:$0x5] =	wrdreg $0xE2000  }
0xb3: {  	[dreg:$0x6] =	wrdreg $0x9  }
0xb4: {  	_ =	task.clear_ibuf [dreg:s8], $0x7FFFF;
	_ =	strace $0x90000046  }
0xb5: {  	s29 =	simm.s32 $0x9;
	_ =	strace $0x80000048  }
0xb6: {  	_ =	swait.ge [sflag:s29], $0x1  }
0xb7: {  	[sflag:s29] =	ssyncadd.s32 $0xFFFFFFFF  }
0xb8: {  	_ =	strace $0x90000048  }
0xb9: {  	_ =	sfence  }
0xba: {  	s30 =	sld [smem:$0x0];
	_ =	sdelay $0x2  }
0xbb: {  	s31 =	sshll.u32 s1, $0xD;
	s1 =	sshrl.u32 s1, $0x2  }
0xbc: {  	s3 =	sand.u32 $0x4000, s31;
	s1 =	sadd.s32 s1, s30  }
0xbd: {  	s0 =	sor.u32 s3, s0;
	s1 =	sshll.u32 s1, $0x11  }
0xbe: {  	s0 =	sor.u32 s1, s0  }
0xbf: {  	s0 =	sadd.s32 $0x8F2B, s0  }
0xc0: {  	[sflag:s0] =	ssyncadd.remote.s32 $0x1  }
0xc1: {  	_ =	sfence.sel $0xFFFF  }
0xc2: {  	[dreg:$0x0] =	wrdreg $0xFFFFFFFF;
	(pc) =	sbr.abs _section_cstart, $3  }
0xc3: {  	[dreg:$0x1] =	wrdreg $0xFFFFFFFF  }
0xc4: {  	_ =	task.clear_ibuf [dreg:s8], $0x2FFFF;
	_ =	strace $0x9FFFFFFF  }
0xc5: {  	(tm) =	ssettm $0x7FFFFFFF  }
tec
execute0_lowered:
.L_overlay_start_1:
0x0: {  	(tag) =	ssettag $0x1  }
0x1: {  	s0 =	rddreg [dreg:$0x0]  }
0x2: {  	s1 =	rddreg [dreg:$0x1]  }
0x3: {  	s2 =	srdreg.scid;
	s5 =	rddreg [dreg:$0x2]  }
0x4: {  	s23 =	stileid.u32;
	s3 =	simm.s32 $0x0;
	s28 =	simm.s32 $0xC000  }
0x5: {  	s29 =	simm.s32 $0x1;
	s30 =	simm.s32 $0x2;
	s31 =	simm.s32 $0x0  }
0x6: {  	s19 =	sand.u32 $0x1, s2;
	s2 =	rddreg [dreg:$0x3];
	s7 =	smul.u32 $0x27800, s23  }
0x7: {  	[smem:$0x7FF] =	sst s3;
	s9 =	smul.u32 $0x270, s23;
	s16 =	sadd.s32 $0x14600, s1  }
0x8: {  	s20 =	smul.u32 $0x27000, s23;
	p0 =	sne.s32 s23, $0x0;
	s4 =	sshll.u32 s19, $0x4  }
0x9: {  	_ =	strace $0x80000047;
	s8 =	ssub.s32 $0x2, s19;
	s11 =	smul.u32 $0x2710, s19  }
0xa: {  	s14 =	smul.u32 $0x9C400, s19;
	s4 =	sor.u32 s23, s4;
	s10 =	sshrl.u32 s8, $0x1  }
0xb: {  	s24 =	sshrl.u32 s7, $0x2;
	s6 =	smul.u32 $0xA00, s4;
	s21 =	ssub.s32 s8, s10  }
0xc: {  	s25 =	sadd.s32 s9, s11;
	s8 =	sshrl.u32 s20, $0x2;
	s17 =	sshrl.u32 s14, $0x3  }
0xd: {  	s20 =	sadd.s32 $0x3B740, s1;
	s9 =	sshll.u32 s25, $0x3;
	s7 =	sadd.s32 s8, s2  }
0xe: {  	s18 =	sadd.s32 s16, s17;
	s17 =	sadd.s32 $0x9C000, s2;
	s25 =	sor.u32 s19, s23  }
0xf: {  	s19 =	sadd.s32 $0x3B700, s1;
	s21 =	smax.u32 s21, $0x1;
	s4 =	sadd.s32 s6, s1  }
0x10: {  	s22 =	sadd.s32 s5, s6;
	s6 =	sadd.s32 s24, s2;
	s8 =	sadd.s32 s16, s9  }
0x11: {  	s26 =	sadd.s32 $0x2000, s7;
	s11 =	sadd.s32 $0x4000, s7;
	s13 =	sadd.s32 $0x6000, s7  }
0x12: {  	s15 =	sadd.s32 $0x8000, s7;
	s18 =	sadd.s32 $0x13800, s18;
	s24 =	simm.s32 $0xE000  }
0x13: {  	p1 =	sne.s32 s25, $0x0;
	s25 =	simm.s32 $0x80;
	[dreg:$0x6] =	wrdreg s22  }
0x14: {  	s4 =	sadd.s32 $0x600, s4;
	[dreg:$0x7] =	wrdreg s26;
	s10 =	sadd.s32 $0x400, s8  }
0x15: {  	s12 =	sadd.s32 $0x800, s8;
	s14 =	sadd.s32 $0xC00, s8;
	s16 =	sadd.s32 $0x1000, s8  }
0x16: {  	v0 =	vimm.f32 $0.0e+00;
	s22 =	simm.s32 $0x3;
	s26 =	simm.s32 $0xA000;
	[dreg:$0x5] =	wrdreg s4  }
.LBB2_1:
0x17: {  	s1 =	rddreg [dreg:$0x5]  }
0x18: {  	[tilespmem:s3], [sflag:$0x3] =	stream.linear.gather [hbm4b:s1+s3], $0x5000, $0x38;
	[tilespmem:$0x18000] =	vst v63  }
0x19: {  	_ =	swait.ge [sflag:s22], $0x5000  }
0x1a: {  	[sflag:s22] =	ssyncset.done $0x0  }
0x1b: {  	s4 =	simm.s32 $0x5000;
	s9 =	rddreg [dreg:$0x6];
	[sflag:s22] =	ssyncadd.s32 $0xFFFFB000  }
0x1c: {  	[tilespmem:s4], [sflag:$0x3] =	stream.linear.gather [hbm4b:s9+s3], $0x5000, $0x38;
	[tilespmem:$0x18000] =	vst v63  }
0x1d: {  	_ =	swait.ge [sflag:s22], $0x5000  }
0x1e: {  	[sflag:s22] =	ssyncset.done $0x0  }
0x1f: {  	[sflag:s22] =	ssyncadd.s32 $0xFFFFB000  }
0x20: {  	[tilespmem:$0xE000] =	vst v0  }
0x21: {  	[tilespmem:$0xE010] =	vst v0  }
0x22: {  	[tilespmem:$0xE020] =	vst v0  }
0x23: {  	[tilespmem:$0xE030] =	vst v0  }
0x24: {  	[tilespmem:$0xE040] =	vst v0  }
0x25: {  	[tilespmem:$0xE050] =	vst v0  }
0x26: {  	[tilespmem:$0xE060] =	vst v0  }
0x27: {  	[tilespmem:$0xE070] =	vst v0  }
0x28: {  	[tilespmem:$0xE080] =	vst v0  }
0x29: {  	[tilespmem:$0xE090] =	vst v0  }
0x2a: {  	[tilespmem:$0xE0A0] =	vst v0  }
0x2b: {  	[tilespmem:$0xE0B0] =	vst v0  }
0x2c: {  	[tilespmem:$0xE0C0] =	vst v0  }
0x2d: {  	[tilespmem:$0xE0D0] =	vst v0  }
0x2e: {  	[tilespmem:$0xE0E0] =	vst v0  }
0x2f: {  	[tilespmem:$0xE0F0] =	vst v0  }
0x30: {  	[tilespmem:$0xE100] =	vst v0  }
0x31: {  	[tilespmem:$0xE110] =	vst v0  }
0x32: {  	[tilespmem:$0xE120] =	vst v0  }
0x33: {  	[tilespmem:$0xE130] =	vst v0  }
0x34: {  	[tilespmem:$0xE140] =	vst v0  }
0x35: {  	[tilespmem:$0xE150] =	vst v0  }
0x36: {  	[tilespmem:$0xE160] =	vst v0  }
0x37: {  	[tilespmem:$0xE170] =	vst v0  }
0x38: {  	[tilespmem:$0xE180] =	vst v0  }
0x39: {  	[tilespmem:$0xE190] =	vst v0  }
0x3a: {  	[tilespmem:$0xE1A0] =	vst v0  }
0x3b: {  	[tilespmem:$0xE1B0] =	vst v0  }
0x3c: {  	[tilespmem:$0xE1C0] =	vst v0  }
0x3d: {  	[tilespmem:$0xE1D0] =	vst v0  }
0x3e: {  	[tilespmem:$0xE1E0] =	vst v0  }
0x3f: {  	s23 =	sadd.s32 $0x0, s6;
	[tilespmem:$0xE1F0] =	vst v0  }
0x40: {  	[spmem:s23] =	stream.linear.scatter [tilespmem:s24], [sflag:$0x3], $0x200, $0x38;
	[tilespmem:$0x18000] =	vst v63  }
0x41: {  	s1 =	simm.s32 $0x800;
	_ =	swait.ge [sflag:s22], $0x200  }
.LBB2_2:
0x42: {  	s23 =	sshra.s32 s1, $0x2;
	[sflag:s22] =	ssyncset.done $0x0;
	p2 =	sne.s32 s1, $0x27000  }
.Ltmp0:
0x43: {  	s23 =	sadd.s32 s23, s6;
	[sflag:s22] =	ssyncadd.s32 $0xFFFFFE00;
	(pc) =	sbr.rel @p2 .LBB2_2-.Ltmp0, $3  }
0x44: {  	[spmem:s23] =	stream.linear.scatter [tilespmem:s24], [sflag:$0x3], $0x200, $0x38;
	[tilespmem:$0x18000] =	vst v63  }
0x45: {  	s1 =	sadd.s32 $0x800, s1;
	_ =	sdelay $0x1  }
0x46: {  	_ =	swait.ge [sflag:s22], $0x200  }
0x47: {  	[sflag:s22] =	ssyncset.done $0x0  }
0x48: {  	[sflag:s22] =	ssyncadd.s32 $0xFFFFFE00  }
0x49: {  	s1 =	simm.s32 $0x0;
	[bflag:$0x0] =	sbarrier.arrive $0xFFFF  }
0x4a: {  	[tilespmem:s26], [sflag:$0x1] =	stream.indirect.gather [hbm4b:s0+s25], $0x40, s1, s25, $0xb8;
	[tilespmem:$0x18000] =	vst v63  }
0x4b: {  	s4 =	simm.s32 $0x80  }
0x4c: {  	[tilespmem:s28], [sflag:$0x2] =	stream.indirect.gather [hbm4b:s0+s25], $0x40, s4, s25, $0xb8;
	[tilespmem:$0x18000] =	vst v63  }
0x4d: {  	_ =	swait.ge [sflag:s29], $0x2000  }
0x4e: {  	[sflag:s29] =	ssyncset.done $0x0  }
0x4f: {  	s5 =	simm.s32 $0x5000;
	[sflag:s29] =	ssyncadd.s32 $0xFFFFE000  }
0x50: {  	[spmem:s2] =	stream.indirect.scatter.add.f32 [tilespmem:s26], [sflag:$0x3], $0x40, s5, s25, $0xb8;
	[tilespmem:$0x18000] =	vst v63  }
0x51: {  	_ =	swait.ge [sflag:s22], $0x2000  }
0x52: {  	[sflag:s22] =	ssyncset.done $0x0  }
0x53: {  	s9 =	simm.s32 $0x100;
	[sflag:s22] =	ssyncadd.s32 $0xFFFFE000  }
0x54: {  	[tilespmem:s26], [sflag:$0x1] =	stream.indirect.gather [hbm4b:s0+s25], $0x40, s9, s25, $0xb8;
	[tilespmem:$0x18000] =	vst v63  }
0x55: {  	_ =	swait.ge [sflag:s30], $0x2000  }
0x56: {  	[sflag:s30] =	ssyncset.done $0x0  }
0x57: {  	s23 =	simm.s32 $0x5080;
	[sflag:s30] =	ssyncadd.s32 $0xFFFFE000  }
0x58: {  	[spmem:s2] =	stream.indirect.scatter.add.f32 [tilespmem:s28], [sflag:$0x3], $0x40, s23, s25, $0xb8;
	[tilespmem:$0x18000] =	vst v63  }
0x59: {  	_ =	swait.ge [sflag:s22], $0x2000  }
0x5a: {  	s1 =	simm.s32 $0x100;
	s23 =	simm.s32 $0x800;
	[sflag:s22] =	ssyncset.done $0x0  }
.LBB2_4:
0x5b: {  	s4 =	sadd.s32 $0x80, s1  }
0x5c: {  	[sflag:s22] =	ssyncadd.s32 $0xFFFFE000;
	s5 =	smov.u32 s23;
	s9 =	sadd.s32 $0x400, s23  }
0x5d: {  	[tilespmem:s28], [sflag:$0x2] =	stream.indirect.gather [hbm4b:s0+s25], $0x40, s4, s25, $0xb8;
	[tilespmem:$0x18000] =	vst v63  }
0x5e: {  	p2 =	sne.s32 s23, $0x13800;
	_ =	swait.ge [sflag:s29], $0x2000  }
0x5f: {  	[sflag:s29] =	ssyncset.done $0x0  }
0x60: {  	s4 =	sadd.s32 $0x5000, s1;
	[sflag:s29] =	ssyncadd.s32 $0xFFFFE000  }
0x61: {  	[spmem:s2] =	stream.indirect.scatter.add.f32 [tilespmem:s26], [sflag:$0x3], $0x40, s4, s25, $0xb8;
	[tilespmem:$0x18000] =	vst v63  }
0x62: {  	_ =	swait.ge [sflag:s22], $0x2000  }
0x63: {  	[sflag:s22] =	ssyncset.done $0x0  }
0x64: {  	s4 =	sadd.s32 $0x100, s1;
	[sflag:s22] =	ssyncadd.s32 $0xFFFFE000  }
0x65: {  	[tilespmem:s26], [sflag:$0x1] =	stream.indirect.gather [hbm4b:s0+s25], $0x40, s4, s25, $0xb8;
	[tilespmem:$0x18000] =	vst v63  }
0x66: {  	_ =	swait.ge [sflag:s30], $0x2000  }
.Ltmp1:
0x67: {  	[sflag:s30] =	ssyncset.done $0x0;
	(pc) =	sbr.rel @p2 .LBB2_4-.Ltmp1, $4  }
0x68: {  	s1 =	sadd.s32 $0x5080, s1;
	[sflag:s30] =	ssyncadd.s32 $0xFFFFE000  }
0x69: {  	[spmem:s2] =	stream.indirect.scatter.add.f32 [tilespmem:s28], [sflag:$0x3], $0x40, s1, s25, $0xb8;
	[tilespmem:$0x18000] =	vst v63  }
0x6a: {  	_ =	swait.ge [sflag:s22], $0x2000  }
0x6b: {  	s23 =	smov.u32 s9;
	s1 =	sshra.s32 s5, $0x2;
	[sflag:s22] =	ssyncset.done $0x0  }
0x6c: {  	s4 =	sadd.s32 $0x80, s1;
	[sflag:s22] =	ssyncadd.s32 $0xFFFFE000  }
0x6d: {  	[tilespmem:s28], [sflag:$0x2] =	stream.indirect.gather [hbm4b:s0+s25], $0x40, s4, s25, $0xb8;
	[tilespmem:$0x18000] =	vst v63  }
0x6e: {  	_ =	swait.ge [sflag:s29], $0x2000  }
0x6f: {  	[sflag:s29] =	ssyncset.done $0x0  }
0x70: {  	s23 =	sadd.s32 $0x5000, s1;
	[sflag:s29] =	ssyncadd.s32 $0xFFFFE000  }
0x71: {  	[spmem:s2] =	stream.indirect.scatter.add.f32 [tilespmem:s26], [sflag:$0x3], $0x40, s23, s25, $0xb8;
	[tilespmem:$0x18000] =	vst v63  }
0x72: {  	_ =	swait.ge [sflag:s22], $0x2000  }
0x73: {  	[sflag:s22] =	ssyncset.done $0x0  }
0x74: {  	s5 =	sadd.s32 $0x100, s1;
	[sflag:s22] =	ssyncadd.s32 $0xFFFFE000  }
0x75: {  	[tilespmem:s26], [sflag:$0x1] =	stream.indirect.gather [hbm4b:s0+s25], $0x40, s5, s25, $0xb8;
	[tilespmem:$0x18000] =	vst v63  }
0x76: {  	_ =	swait.ge [sflag:s30], $0x2000  }
0x77: {  	[sflag:s30] =	ssyncset.done $0x0  }
0x78: {  	s9 =	sadd.s32 $0x5080, s1;
	[sflag:s30] =	ssyncadd.s32 $0xFFFFE000  }
0x79: {  	[spmem:s2] =	stream.indirect.scatter.add.f32 [tilespmem:s28], [sflag:$0x3], $0x40, s9, s25, $0xb8;
	[tilespmem:$0x18000] =	vst v63  }
0x7a: {  	_ =	swait.ge [sflag:s22], $0x2000  }
0x7b: {  	[sflag:s22] =	ssyncset.done $0x0  }
0x7c: {  	[sflag:s22] =	ssyncadd.s32 $0xFFFFE000  }
0x7d: {  	_ =	swait.ge [sflag:s29], $0x2000  }
0x7e: {  	[sflag:s29] =	ssyncset.done $0x0  }
0x7f: {  	[sflag:s29] =	ssyncadd.s32 $0xFFFFE000  }
0x80: {  	[bflag:$0x0] =	sbarrier.arrive $0xFFFF  }
0x81: {  	[tilespmem:s26], [sflag:$0x3] =	stream.linear.gather [spmem:s7], $0x2000, $0x38;
	[tilespmem:$0x18000] =	vst v63  }
0x82: {  	_ =	swait.ge [sflag:s22], $0x2000  }
0x83: {  	[sflag:s22] =	ssyncset.done $0x0  }
0x84: {  	[sflag:s22] =	ssyncadd.s32 $0xFFFFE000  }
0x85: {  	[hbm4b:s8+s3] =	stream.linear.scatter [tilespmem:s26], [sflag:$0x3], $0x2000, $0x38;
	[tilespmem:$0x18000] =	vst v63  }
0x86: {  	_ =	swait.ge [sflag:s22], $0x2000  }
0x87: {  	[sflag:s22] =	ssyncset.done $0x0  }
0x88: {  	s23 =	rddreg [dreg:$0x7];
	[sflag:s22] =	ssyncadd.s32 $0xFFFFE000  }
0x89: {  	[tilespmem:s26], [sflag:$0x3] =	stream.linear.gather [spmem:s23], $0x2000, $0x38;
	[tilespmem:$0x18000] =	vst v63  }
0x8a: {  	_ =	swait.ge [sflag:s22], $0x2000  }
0x8b: {  	[sflag:s22] =	ssyncset.done $0x0  }
0x8c: {  	[sflag:s22] =	ssyncadd.s32 $0xFFFFE000  }
0x8d: {  	[hbm4b:s10+s3] =	stream.linear.scatter [tilespmem:s26], [sflag:$0x3], $0x2000, $0x38;
	[tilespmem:$0x18000] =	vst v63  }
0x8e: {  	_ =	swait.ge [sflag:s22], $0x2000  }
0x8f: {  	[sflag:s22] =	ssyncset.done $0x0  }
0x90: {  	[sflag:s22] =	ssyncadd.s32 $0xFFFFE000  }
0x91: {  	[tilespmem:s26], [sflag:$0x3] =	stream.linear.gather [spmem:s11], $0x2000, $0x38;
	[tilespmem:$0x18000] =	vst v63  }
0x92: {  	_ =	swait.ge [sflag:s22], $0x2000  }
0x93: {  	[sflag:s22] =	ssyncset.done $0x0  }
0x94: {  	[sflag:s22] =	ssyncadd.s32 $0xFFFFE000  }
0x95: {  	[hbm4b:s12+s3] =	stream.linear.scatter [tilespmem:s26], [sflag:$0x3], $0x2000, $0x38;
	[tilespmem:$0x18000] =	vst v63  }
0x96: {  	_ =	swait.ge [sflag:s22], $0x2000  }
0x97: {  	[sflag:s22] =	ssyncset.done $0x0  }
0x98: {  	[sflag:s22] =	ssyncadd.s32 $0xFFFFE000  }
0x99: {  	[tilespmem:s26], [sflag:$0x3] =	stream.linear.gather [spmem:s13], $0x2000, $0x38;
	[tilespmem:$0x18000] =	vst v63  }
0x9a: {  	_ =	swait.ge [sflag:s22], $0x2000  }
0x9b: {  	[sflag:s22] =	ssyncset.done $0x0  }
0x9c: {  	[sflag:s22] =	ssyncadd.s32 $0xFFFFE000  }
0x9d: {  	[hbm4b:s14+s3] =	stream.linear.scatter [tilespmem:s26], [sflag:$0x3], $0x2000, $0x38;
	[tilespmem:$0x18000] =	vst v63  }
0x9e: {  	_ =	swait.ge [sflag:s22], $0x2000  }
0x9f: {  	[sflag:s22] =	ssyncset.done $0x0  }
0xa0: {  	[sflag:s22] =	ssyncadd.s32 $0xFFFFE000  }
0xa1: {  	[tilespmem:s26], [sflag:$0x3] =	stream.linear.gather [spmem:s15], $0x1C00, $0x38;
	[tilespmem:$0x18000] =	vst v63  }
0xa2: {  	_ =	swait.ge [sflag:s22], $0x1C00  }
0xa3: {  	[sflag:s22] =	ssyncset.done $0x0  }
0xa4: {  	[sflag:s22] =	ssyncadd.s32 $0xFFFFE400  }
0xa5: {  	[hbm4b:s16+s3] =	stream.linear.scatter [tilespmem:s26], [sflag:$0x3], $0x1C00, $0x38;
	[tilespmem:$0x18000] =	vst v63  }
0xa6: {  	_ =	swait.ge [sflag:s22], $0x1C00  }
0xa7: {  	[sflag:s22] =	ssyncset.done $0x0  }
0xa8: {  	s1 =	simm.s32 @!p0 $0xC000;
	s4 =	simm.s32 @!p0 $0x3;
	[sflag:s22] =	ssyncadd.s32 $0xFFFFE400  }
0xa9: {  	[tilespmem:s1], [sflag:$0x3] =	stream.linear.gather @!p0 [spmem:s17], $0x400, $0x38;
	[tilespmem:$0x18000] =	vst v63  }
0xaa: {  	_ =	swait.ge @!p0 [sflag:s4], $0x400  }
0xab: {  	[sflag:s4] =	ssyncset.done @!p0 $0x0  }
0xac: {  	s5 =	simm.s32 @!p0 $0x0;
	[sflag:s4] =	ssyncadd.s32 @!p0 $0xFFFFFC00  }
0xad: {  	[hbm4b:s18+s5] =	stream.linear.scatter @!p0 [tilespmem:s1], [sflag:$0x3], $0x400, $0x38;
	[tilespmem:$0x18000] =	vst v63  }
0xae: {  	_ =	swait.ge @!p0 [sflag:s4], $0x400  }
0xaf: {  	s1 =	simm.s32 @!p1 $0x0;
	[sflag:s4] =	ssyncset.done @!p0 $0x0  }
0xb0: {  	s5 =	simm.s32 @!p1 $0x3;
	[sflag:s4] =	ssyncadd.s32 @!p0 $0xFFFFFC00;
	s4 =	simm.s32 @!p1 $0xE000  }
0xb1: {  	[hbm4b:s19+s1] =	stream.linear.scatter @!p1 [tilespmem:s4], [sflag:$0x3], $0x200, $0x38;
	[tilespmem:$0x18000] =	vst v63  }
0xb2: {  	s31 =	sadd.s32 $0x1, s31;
	_ =	swait.ge @!p1 [sflag:s5], $0x200  }
0xb3: {  	p2 =	sne.s32 s31, s21;
	[sflag:s5] =	ssyncset.done @!p1 $0x0  }
.Ltmp2:
0xb4: {  	[sflag:s5] =	ssyncadd.s32 @!p1 $0xFFFFFE00;
	(pc) =	sbr.rel @p2 .LBB2_1-.Ltmp2, $4  }
0xb5: {  	[hbm4b:s20+s1] =	stream.linear.scatter @!p1 [tilespmem:s4], [sflag:$0x3], $0x200, $0x38;
	[tilespmem:$0x18000] =	vst v63  }
0xb6: {  	_ =	swait.ge @!p1 [sflag:s5], $0x200  }
0xb7: {  	[sflag:s5] =	ssyncset.done @!p1 $0x0  }
0xb8: {  	[sflag:s5] =	ssyncadd.s32 @!p1 $0xFFFFFE00  }
0xb9: {  	_ =	sfence.sel $0x180000  }
0xba: {  	[bflag:$0x0] =	sbarrier.arrive $0xFFFF  }
0xbb: {  	_ =	strace $0x90000047  }
0xbc: {  	[bflag:$0x2] =	sbarrier.arrive $0xFFFF  }
0xbd: {  	s0 =	rddreg [dreg:$0x4]  }
0xbe: {  	s0 =	sadd.s32 @!p0 $0x100000, s0  }
0xbf: {  	[sflag:s0] =	ssyncadd.tile.s32 @!p0 $0x1;
	_ =	shalt  }
.Lfunc_end2:
_tile_overlayer_lowered:
.L_overlay_start_2:
0xc0: {  	(tag) =	ssettag $0x2  }
0xc1: {  	s0 =	rddreg [dreg:$0x0];
	s2 =	stileid.u32  }
0xc2: {  	s1 =	rddreg [dreg:$0x1];
	p0 =	sne.s32 s2, $0x0  }
0xc3: {  	s3 =	rddreg [dreg:$0x2];
	[bflag:$0x3] =	sbarrier.arrive $0xFFFF;
	s2 =	simm.s32 @!p0 $0x1C03  }
0xc4: {  	[timem:s3], [sflag:s2] =	dma.local @!p0 [hbm:s0], s1  }
0xc5: {  	s0 =	simm.s32 @!p0 $0x3  }
0xc6: {  	_ =	swait.ge @!p0 [sflag:s0], s1  }
0xc7: {  	s1 =	ssub.s32 @!p0 $0x0, s1;
	[sflag:s0] =	ssyncset.done @!p0 $0x0  }
0xc8: {  	[sflag:s0] =	ssyncadd.s32 @!p0 s1  }
0xc9: {  	[bflag:$0x3] =	sbarrier.arrive $0xFFFF  }
0xca: {  	_ =	shalt  }

</sc_bundles>
